<compile_context>
chip_gen: v7x
topology: tpu7x:2x2x1
jax: 0.10.2.dev20260603
libtpu: 0.0.44.dev20260713+nightly
codegen_flags: <defaults>
</compile_context>

<pallas_src>
import functools

import jax
import jax.numpy as jnp
from jax import lax
from jax.experimental import pallas as pl
from jax.experimental.pallas import tpu as pltpu
from jax.experimental.pallas import tpu_sc as plsc

_N = 99999
_K = _N // 3
_NC = 2
_NS = 16
_NW = _NC * _NS
_CHUNK = 11264
_NV = _CHUNK // 16
_XPW = 50304
_ACC_P = 33408
_INV3 = 0xAAAAAAAB
_LIM3 = 0x55555555


def _make_sc_kernel(nch):
    mesh = plsc.VectorSubcoreMesh(core_axis_name="c", subcore_axis_name="s",
                                  num_cores=_NC, num_subcores=_NS)

    @functools.partial(
        pl.kernel,
        out_type=jax.ShapeDtypeStruct((_NW * _ACC_P,), jnp.float32),
        mesh=mesh,
        compiler_params=pltpu.CompilerParams(
            needs_layout_passes=False, use_tc_tiling_on_sc=False),
        scratch_types=[
            pltpu.VMEM((_XPW,), jnp.int32),
            pltpu.VMEM((2, _CHUNK), jnp.int32),
            pltpu.VMEM((2, _CHUNK), jnp.int32),
            pltpu.VMEM((_ACC_P,), jnp.float32),
            pltpu.SemaphoreType.DMA,
            pltpu.SemaphoreType.DMA,
            pltpu.SemaphoreType.DMA,
            pltpu.SemaphoreType.DMA,
        ],
    )
    def sc_kernel(xp_hbm, srcr_hbm, dstr_hbm, zeros_hbm, q_hbm,
                  xp_v, src_v, dst_v, acc_v,
                  sem_s0, sem_s1, sem_d0, sem_d1):
        cid = lax.axis_index("c")
        sid = lax.axis_index("s")
        wid = sid * _NC + cid
        sem_s = (sem_s0, sem_s1)
        sem_d = (sem_d0, sem_d1)

        row0 = wid * nch
        inv3 = jnp.full((16,), _INV3, dtype=jnp.uint32)
        lim3 = jnp.full((16,), _LIM3, dtype=jnp.uint32)
        himask = jnp.full((16,), 0xFFFF0000, dtype=jnp.uint32)
        one = jnp.full((16,), 1, dtype=jnp.int32)

        def start(g, b):
            pltpu.async_copy(srcr_hbm.at[row0 + g], src_v.at[b], sem_s[b])
            pltpu.async_copy(dstr_hbm.at[row0 + g], dst_v.at[b], sem_d[b])

        def wait(g, b):
            pltpu.make_async_copy(srcr_hbm.at[row0 + g], src_v.at[b],
                                  sem_s[b]).wait()
            pltpu.make_async_copy(dstr_hbm.at[row0 + g], dst_v.at[b],
                                  sem_d[b]).wait()

        def process(b):
            @plsc.parallel_loop(0, _NV, 1, unroll=8)
            def _body(u):
                off = u * 16
                d = dst_v[b, pl.ds(off, 16)]
                s = src_v[b, pl.ds(off, 16)]
                t = plsc.bitcast(d, jnp.uint32) * inv3
                m = t <= lim3
                pair = plsc.load_gather(xp_v, [lax.shift_right_logical(s, 1)])
                pu = plsc.bitcast(pair, jnp.uint32)
                sel = jnp.bitwise_and(s, one)
                bits = jnp.where(sel == one, pu & himask,
                                 lax.shift_left(pu, jnp.uint32(16)))
                v = plsc.bitcast(bits, jnp.float32)
                q = plsc.bitcast(t, jnp.int32)
                plsc.addupdate_scatter(acc_v, [q], v, mask=m)

        start(0, 0)
        start(1, 1)
        pltpu.sync_copy(xp_hbm, xp_v)
        pltpu.sync_copy(zeros_hbm, acc_v)

        def outer(i, carry):
            for b in range(2):
                g = 2 * i + b
                wait(g, b)
                process(b)

                @pl.when(g + 2 < nch)
                def _():
                    start(g + 2, b)
            return carry

        lax.fori_loop(0, nch // 2, outer, 0)

        pltpu.sync_copy(acc_v, q_hbm.at[pl.ds(wid * _ACC_P, _ACC_P)])

    return sc_kernel


def _combine_body(p_ref, q_ref, z_ref, o_ref):
    agg = jnp.sum(q_ref[...], axis=0)
    h = p_ref[0] * agg + p_ref[1] * z_ref[...]
    a0 = jnp.maximum(p_ref[2] * h + p_ref[3], 0.0)
    a1 = jnp.maximum(p_ref[4] * h + p_ref[5], 0.0)
    o_ref[...] = p_ref[6] * a0 + p_ref[7] * a1 + p_ref[8]


def kernel(x, edge_index, W_l, W_r, W1, b1, W2, b2):
    x1 = x.reshape(-1)
    src = edge_index[0]
    dst = edge_index[1]
    e = src.shape[0]

    per_worker = _NW * _CHUNK
    nch = -(-e // per_worker)
    nch = -(-nch // 2) * 2
    ep = nch * per_worker
    pad = ep - e

    src_p = jnp.concatenate([src, jnp.zeros((pad,), jnp.int32)])
    dst_p = jnp.concatenate([dst, jnp.ones((pad,), jnp.int32)])
    srcr = src_p.reshape(ep // _CHUNK, _CHUNK)
    dstr = dst_p.reshape(ep // _CHUNK, _CHUNK)

    xb = x1.astype(jnp.bfloat16)
    xu = lax.bitcast_convert_type(xb, jnp.uint16).astype(jnp.uint32)
    xu = jnp.concatenate([xu, jnp.zeros((2 * _XPW - _N,), jnp.uint32)])
    xp = xu[0::2] | (xu[1::2] << 16)
    xp = lax.bitcast_convert_type(xp, jnp.int32)
    zeros = jnp.zeros((_ACC_P,), jnp.float32)

    q = _make_sc_kernel(nch)(xp, srcr, dstr, zeros)

    xz = jnp.concatenate([x1[::3], jnp.zeros((_ACC_P - _K,), jnp.float32)])

    params = jnp.stack([
        W_l[0, 0], W_r[0, 0],
        W1[0, 0], b1[0], W1[1, 0], b1[1],
        W2[0, 0], W2[0, 1], b2[0],
    ])
    out2d = pl.pallas_call(
        _combine_body,
        out_shape=jax.ShapeDtypeStruct((_ACC_P // 128, 128), jnp.float32),
        in_specs=[
            pl.BlockSpec(memory_space=pltpu.SMEM),
            pl.BlockSpec(memory_space=pltpu.VMEM),
            pl.BlockSpec(memory_space=pltpu.VMEM),
        ],
    )(params, q.reshape(_NW, _ACC_P // 128, 128),
      xz.reshape(_ACC_P // 128, 128))
    return out2d.reshape(-1)[:_K]

# --- scband reference (transcript-rebuilt; emitter-appended) ---
"""Pipeline reference for scband-non-linear-sage-54400055771176 (READ-ONLY COPY).

The authoritative reference and input builder live on the scoring server;
editing this copy changes nothing except your own understanding.
"""

import jax, jax.numpy as jnp
import numpy as np

N = 99999
E = 6399936


def setup_inputs(seed: int = 0) -> dict:
    key = jax.random.key(seed)
    ks = jax.random.split(key, 8)
    x = jax.random.normal(ks[0], (N, 1), dtype=jnp.float32)
    edge_index = jax.random.randint(ks[1], (2, E), 0, N, dtype=jnp.int32)
    # SAGEConv(1, 1, bias=False): lin_l applied to aggregated neighbors, lin_r to root
    W_l = jax.random.normal(ks[2], (1, 1), dtype=jnp.float32) * 0.5
    W_r = jax.random.normal(ks[3], (1, 1), dtype=jnp.float32) * 0.5
    # activation MLP: Linear(1, 2) -> ReLU -> Linear(2, 1)
    W1 = jax.random.normal(ks[4], (2, 1), dtype=jnp.float32) * 0.5
    b1 = jax.random.normal(ks[5], (2,), dtype=jnp.float32) * 0.1
    W2 = jax.random.normal(ks[6], (1, 2), dtype=jnp.float32) * 0.5
    b2 = jax.random.normal(ks[7], (1,), dtype=jnp.float32) * 0.1
    return {"x": x, "edge_index": edge_index, "W_l": W_l, "W_r": W_r, "W1": W1, "b1": b1, "W2": W2, "b2": b2}


def reference(x, edge_index, W_l, W_r, W1, b1, W2, b2):
    # SAGEConv with aggr='sum', normalize=False, bias=False:
    #   out_i = lin_l( sum_{j in N(i)} x_j ) + lin_r(x_i)
    src = edge_index[0]
    dst = edge_index[1]
    agg = jnp.zeros_like(x).at[dst].add(x[src])  # scatter-add of neighbor features
    h = agg @ W_l.T + x @ W_r.T  # [N, 1]
    # x.view(-1, 3), take column 0
    z = h.reshape(-1, 3)[:, 0:1]  # [N/3, 1]
    hidden = jnp.maximum(z @ W1.T + b1, 0.0)  # Linear(1,2) + ReLU
    out = hidden @ W2.T + b2  # Linear(2,1)
    return out.reshape(-1)

if __name__ == "__main__":
    import jax
    _d = setup_inputs()
    print(jax.jit(kernel)(*tuple(_d.values())))

</pallas_src>

<mosaic_0001>
#map = affine_map<(d0, d1) -> (0)>
#map1 = affine_map<(d0, d1) -> (0, 0)>
module attributes {stable_mosaic.version = 14 : i64} {
  func.func @sc_kernel(%arg0: i32, %arg1: i32, %arg2: memref<50304xi32, #tpu.memory_space<hbm>>, %arg3: memref<576x11264xi32, #tpu.memory_space<hbm>>, %arg4: memref<576x11264xi32, #tpu.memory_space<hbm>>, %arg5: memref<33408xf32, #tpu.memory_space<hbm>>, %arg6: memref<1069056xf32, #tpu.memory_space<hbm>>, %arg7: memref<50304xi32, #tpu.memory_space<vmem>>, %arg8: memref<2x11264xi32, #tpu.memory_space<vmem>>, %arg9: memref<2x11264xi32, #tpu.memory_space<vmem>>, %arg10: memref<33408xf32, #tpu.memory_space<vmem>>, %arg11: memref<!tpu.dma_semaphore, #tpu.memory_space<semaphore_mem>>, %arg12: memref<!tpu.dma_semaphore, #tpu.memory_space<semaphore_mem>>, %arg13: memref<!tpu.dma_semaphore, #tpu.memory_space<semaphore_mem>>, %arg14: memref<!tpu.dma_semaphore, #tpu.memory_space<semaphore_mem>>) attributes {dimension_semantics = [#tpu.dimension_semantics<core_parallel>, #tpu.dimension_semantics<subcore_parallel>], iteration_bounds = array<i64: 2, 16>, scalar_prefetch = 0 : i64, scratch_operands = 8 : i64, tpu.core_type = #tpu.core_type<sc_vector_subcore>, window_params = [{transform_indices = #map}, {transform_indices = #map1}, {transform_indices = #map1}, {transform_indices = #map}, {transform_indices = #map}]} {
    %mul3A = arith.constant 2 : i32
    %mul3A_0 = arith.muli %arg1, %mul3A : i32
    %add3A = arith.addi %mul3A_0, %arg0 : i32
    %mul3A_1 = arith.constant 18 : i32
    %mul3A_2 = arith.muli %add3A, %mul3A_1 : i32
    %broadcast_in_dim3A = arith.constant -1431655765 : i32
    %broadcast_in_dim3A_3 = vector.broadcast %broadcast_in_dim3A : i32 to vector<16xi32>
    %broadcast_in_dim3A_4 = arith.constant 1431655765 : i32
    %broadcast_in_dim3A_5 = vector.broadcast %broadcast_in_dim3A_4 : i32 to vector<16xi32>
    %broadcast_in_dim3A_6 = arith.constant -65536 : i32
    %broadcast_in_dim3A_7 = vector.broadcast %broadcast_in_dim3A_6 : i32 to vector<16xi32>
    %broadcast_in_dim3A_8 = arith.constant 1 : i32
    %broadcast_in_dim3A_9 = vector.broadcast %broadcast_in_dim3A_8 : i32 to vector<16xi32>
    %add3A_10 = arith.constant 0 : i32
    %add3A_11 = arith.addi %mul3A_2, %add3A_10 : i32
    %dma_start3A = arith.constant 0 : i32
    %dma_start3A_12 = arith.constant 0 : i32
    %dma_start3A_13 = tpu.memref_slice %arg8[%dma_start3A, %dma_start3A_12] : memref<2x11264xi32, #tpu.memory_space<vmem>> -> memref<1x11264xi32, #tpu.memory_space<vmem>>
    %dma_start3A_14 = tpu.memref_squeeze %dma_start3A_13 : memref<1x11264xi32, #tpu.memory_space<vmem>> -> memref<11264xi32, #tpu.memory_space<vmem>>
    %dma_start3A_15 = arith.constant 0 : i32
    %dma_start3A_16 = tpu.memref_slice %arg3[%add3A_11, %dma_start3A_15] : memref<576x11264xi32, #tpu.memory_space<hbm>> -> memref<1x11264xi32, #tpu.memory_space<hbm>>
    %dma_start3A_17 = tpu.memref_squeeze %dma_start3A_16 : memref<1x11264xi32, #tpu.memory_space<hbm>> -> memref<11264xi32, #tpu.memory_space<hbm>>
    %dma_start3A_18 = arith.constant 0 : i32
    %dma_start3A_19 = tpu.memref_slice %arg8[%dma_start3A, %dma_start3A_18] : memref<2x11264xi32, #tpu.memory_space<vmem>> -> memref<1x11264xi32, #tpu.memory_space<vmem>>
    %dma_start3A_20 = tpu.memref_squeeze %dma_start3A_19 : memref<1x11264xi32, #tpu.memory_space<vmem>> -> memref<11264xi32, #tpu.memory_space<vmem>>
    %dma_start3A_21 = arith.constant 0 : i32
    %dma_start3A_22 = tpu.memref_slice %arg3[%add3A_11, %dma_start3A_21] : memref<576x11264xi32, #tpu.memory_space<hbm>> -> memref<1x11264xi32, #tpu.memory_space<hbm>>
    %dma_start3A_23 = tpu.memref_squeeze %dma_start3A_22 : memref<1x11264xi32, #tpu.memory_space<hbm>> -> memref<11264xi32, #tpu.memory_space<hbm>>
    tpu.enqueue_dma source(%dma_start3A_23 : memref<11264xi32, #tpu.memory_space<hbm>>) target(%dma_start3A_20 : memref<11264xi32, #tpu.memory_space<vmem>>) target_semaphore(%arg11 : memref<!tpu.dma_semaphore, #tpu.memory_space<semaphore_mem>>)
    %add3A_24 = arith.constant 0 : i32
    %add3A_25 = arith.addi %mul3A_2, %add3A_24 : i32
    %dma_start3A_26 = arith.constant 0 : i32
    %dma_start3A_27 = arith.constant 0 : i32
    %dma_start3A_28 = tpu.memref_slice %arg9[%dma_start3A_26, %dma_start3A_27] : memref<2x11264xi32, #tpu.memory_space<vmem>> -> memref<1x11264xi32, #tpu.memory_space<vmem>>
    %dma_start3A_29 = tpu.memref_squeeze %dma_start3A_28 : memref<1x11264xi32, #tpu.memory_space<vmem>> -> memref<11264xi32, #tpu.memory_space<vmem>>
    %dma_start3A_30 = arith.constant 0 : i32
    %dma_start3A_31 = tpu.memref_slice %arg4[%add3A_25, %dma_start3A_30] : memref<576x11264xi32, #tpu.memory_space<hbm>> -> memref<1x11264xi32, #tpu.memory_space<hbm>>
    %dma_start3A_32 = tpu.memref_squeeze %dma_start3A_31 : memref<1x11264xi32, #tpu.memory_space<hbm>> -> memref<11264xi32, #tpu.memory_space<hbm>>
    %dma_start3A_33 = arith.constant 0 : i32
    %dma_start3A_34 = tpu.memref_slice %arg9[%dma_start3A_26, %dma_start3A_33] : memref<2x11264xi32, #tpu.memory_space<vmem>> -> memref<1x11264xi32, #tpu.memory_space<vmem>>
    %dma_start3A_35 = tpu.memref_squeeze %dma_start3A_34 : memref<1x11264xi32, #tpu.memory_space<vmem>> -> memref<11264xi32, #tpu.memory_space<vmem>>
    %dma_start3A_36 = arith.constant 0 : i32
    %dma_start3A_37 = tpu.memref_slice %arg4[%add3A_25, %dma_start3A_36] : memref<576x11264xi32, #tpu.memory_space<hbm>> -> memref<1x11264xi32, #tpu.memory_space<hbm>>
    %dma_start3A_38 = tpu.memref_squeeze %dma_start3A_37 : memref<1x11264xi32, #tpu.memory_space<hbm>> -> memref<11264xi32, #tpu.memory_space<hbm>>
    tpu.enqueue_dma source(%dma_start3A_38 : memref<11264xi32, #tpu.memory_space<hbm>>) target(%dma_start3A_35 : memref<11264xi32, #tpu.memory_space<vmem>>) target_semaphore(%arg13 : memref<!tpu.dma_semaphore, #tpu.memory_space<semaphore_mem>>)
    %add3A_39 = arith.constant 1 : i32
    %add3A_40 = arith.addi %mul3A_2, %add3A_39 : i32
    %dma_start3A_41 = arith.constant 1 : i32
    %dma_start3A_42 = arith.constant 0 : i32
    %dma_start3A_43 = tpu.memref_slice %arg8[%dma_start3A_41, %dma_start3A_42] : memref<2x11264xi32, #tpu.memory_space<vmem>> -> memref<1x11264xi32, #tpu.memory_space<vmem>>
    %dma_start3A_44 = tpu.memref_squeeze %dma_start3A_43 : memref<1x11264xi32, #tpu.memory_space<vmem>> -> memref<11264xi32, #tpu.memory_space<vmem>>
    %dma_start3A_45 = arith.constant 0 : i32
    %dma_start3A_46 = tpu.memref_slice %arg3[%add3A_40, %dma_start3A_45] : memref<576x11264xi32, #tpu.memory_space<hbm>> -> memref<1x11264xi32, #tpu.memory_space<hbm>>
    %dma_start3A_47 = tpu.memref_squeeze %dma_start3A_46 : memref<1x11264xi32, #tpu.memory_space<hbm>> -> memref<11264xi32, #tpu.memory_space<hbm>>
    %dma_start3A_48 = arith.constant 0 : i32
    %dma_start3A_49 = tpu.memref_slice %arg8[%dma_start3A_41, %dma_start3A_48] : memref<2x11264xi32, #tpu.memory_space<vmem>> -> memref<1x11264xi32, #tpu.memory_space<vmem>>
    %dma_start3A_50 = tpu.memref_squeeze %dma_start3A_49 : memref<1x11264xi32, #tpu.memory_space<vmem>> -> memref<11264xi32, #tpu.memory_space<vmem>>
    %dma_start3A_51 = arith.constant 0 : i32
    %dma_start3A_52 = tpu.memref_slice %arg3[%add3A_40, %dma_start3A_51] : memref<576x11264xi32, #tpu.memory_space<hbm>> -> memref<1x11264xi32, #tpu.memory_space<hbm>>
    %dma_start3A_53 = tpu.memref_squeeze %dma_start3A_52 : memref<1x11264xi32, #tpu.memory_space<hbm>> -> memref<11264xi32, #tpu.memory_space<hbm>>
    tpu.enqueue_dma source(%dma_start3A_53 : memref<11264xi32, #tpu.memory_space<hbm>>) target(%dma_start3A_50 : memref<11264xi32, #tpu.memory_space<vmem>>) target_semaphore(%arg12 : memref<!tpu.dma_semaphore, #tpu.memory_space<semaphore_mem>>)
    %add3A_54 = arith.constant 1 : i32
    %add3A_55 = arith.addi %mul3A_2, %add3A_54 : i32
    %dma_start3A_56 = arith.constant 1 : i32
    %dma_start3A_57 = arith.constant 0 : i32
    %dma_start3A_58 = tpu.memref_slice %arg9[%dma_start3A_56, %dma_start3A_57] : memref<2x11264xi32, #tpu.memory_space<vmem>> -> memref<1x11264xi32, #tpu.memory_space<vmem>>
    %dma_start3A_59 = tpu.memref_squeeze %dma_start3A_58 : memref<1x11264xi32, #tpu.memory_space<vmem>> -> memref<11264xi32, #tpu.memory_space<vmem>>
    %dma_start3A_60 = arith.constant 0 : i32
    %dma_start3A_61 = tpu.memref_slice %arg4[%add3A_55, %dma_start3A_60] : memref<576x11264xi32, #tpu.memory_space<hbm>> -> memref<1x11264xi32, #tpu.memory_space<hbm>>
    %dma_start3A_62 = tpu.memref_squeeze %dma_start3A_61 : memref<1x11264xi32, #tpu.memory_space<hbm>> -> memref<11264xi32, #tpu.memory_space<hbm>>
    %dma_start3A_63 = arith.constant 0 : i32
    %dma_start3A_64 = tpu.memref_slice %arg9[%dma_start3A_56, %dma_start3A_63] : memref<2x11264xi32, #tpu.memory_space<vmem>> -> memref<1x11264xi32, #tpu.memory_space<vmem>>
    %dma_start3A_65 = tpu.memref_squeeze %dma_start3A_64 : memref<1x11264xi32, #tpu.memory_space<vmem>> -> memref<11264xi32, #tpu.memory_space<vmem>>
    %dma_start3A_66 = arith.constant 0 : i32
    %dma_start3A_67 = tpu.memref_slice %arg4[%add3A_55, %dma_start3A_66] : memref<576x11264xi32, #tpu.memory_space<hbm>> -> memref<1x11264xi32, #tpu.memory_space<hbm>>
    %dma_start3A_68 = tpu.memref_squeeze %dma_start3A_67 : memref<1x11264xi32, #tpu.memory_space<hbm>> -> memref<11264xi32, #tpu.memory_space<hbm>>
    tpu.enqueue_dma source(%dma_start3A_68 : memref<11264xi32, #tpu.memory_space<hbm>>) target(%dma_start3A_65 : memref<11264xi32, #tpu.memory_space<vmem>>) target_semaphore(%arg14 : memref<!tpu.dma_semaphore, #tpu.memory_space<semaphore_mem>>)
    "tpu.region"() ({
      %run_scoped3A = tpu.sem_alloc : memref<!tpu.dma_semaphore, #tpu.memory_space<semaphore_mem>>
      tpu.enqueue_dma source(%arg2 : memref<50304xi32, #tpu.memory_space<hbm>>) target(%arg7 : memref<50304xi32, #tpu.memory_space<vmem>>) target_semaphore(%run_scoped3A : memref<!tpu.dma_semaphore, #tpu.memory_space<semaphore_mem>>)
      tpu.wait_dma2 semaphore(%run_scoped3A : memref<!tpu.dma_semaphore, #tpu.memory_space<semaphore_mem>>) src(%arg2 : memref<50304xi32, #tpu.memory_space<hbm>>) dst(%arg7 : memref<50304xi32, #tpu.memory_space<vmem>>)
      tpu.yield
    }) : () -> ()
    "tpu.region"() ({
      %run_scoped3A = tpu.sem_alloc : memref<!tpu.dma_semaphore, #tpu.memory_space<semaphore_mem>>
      tpu.enqueue_dma source(%arg5 : memref<33408xf32, #tpu.memory_space<hbm>>) target(%arg10 : memref<33408xf32, #tpu.memory_space<vmem>>) target_semaphore(%run_scoped3A : memref<!tpu.dma_semaphore, #tpu.memory_space<semaphore_mem>>)
      tpu.wait_dma2 semaphore(%run_scoped3A : memref<!tpu.dma_semaphore, #tpu.memory_space<semaphore_mem>>) src(%arg5 : memref<33408xf32, #tpu.memory_space<hbm>>) dst(%arg10 : memref<33408xf32, #tpu.memory_space<vmem>>)
      tpu.yield
    }) : () -> ()
    %scan3A = arith.constant 0 : i32
    %scan3A_69 = arith.constant 0 : i32
    %scan3A_70 = arith.constant 9 : i32
    %scan3A_71 = arith.addi %scan3A_69, %scan3A_70 : i32
    %scan3A_72 = arith.constant 1 : i32
    scf.for %scan3A_76 = %scan3A_69 to %scan3A_71 step %scan3A_72  : i32 {
      %mul3A_77 = arith.constant 2 : i32
      %mul3A_78 = arith.muli %mul3A_77, %scan3A_76 : i32
      %add3A_79 = arith.constant 0 : i32
      %add3A_80 = arith.addi %mul3A_78, %add3A_79 : i32
      %add3A_81 = arith.addi %mul3A_2, %add3A_80 : i32
      %dma_wait3A = arith.constant 0 : i32
      %dma_wait3A_82 = arith.constant 0 : i32
      %dma_wait3A_83 = tpu.memref_slice %arg8[%dma_wait3A, %dma_wait3A_82] : memref<2x11264xi32, #tpu.memory_space<vmem>> -> memref<1x11264xi32, #tpu.memory_space<vmem>>
      %dma_wait3A_84 = tpu.memref_squeeze %dma_wait3A_83 : memref<1x11264xi32, #tpu.memory_space<vmem>> -> memref<11264xi32, #tpu.memory_space<vmem>>
      %dma_wait3A_85 = arith.constant 0 : i32
      %dma_wait3A_86 = tpu.memref_slice %arg3[%add3A_81, %dma_wait3A_85] : memref<576x11264xi32, #tpu.memory_space<hbm>> -> memref<1x11264xi32, #tpu.memory_space<hbm>>
      %dma_wait3A_87 = tpu.memref_squeeze %dma_wait3A_86 : memref<1x11264xi32, #tpu.memory_space<hbm>> -> memref<11264xi32, #tpu.memory_space<hbm>>
      %dma_wait3A_88 = arith.constant 0 : i32
      %dma_wait3A_89 = tpu.memref_slice %arg8[%dma_wait3A, %dma_wait3A_88] : memref<2x11264xi32, #tpu.memory_space<vmem>> -> memref<1x11264xi32, #tpu.memory_space<vmem>>
      %dma_wait3A_90 = tpu.memref_squeeze %dma_wait3A_89 : memref<1x11264xi32, #tpu.memory_space<vmem>> -> memref<11264xi32, #tpu.memory_space<vmem>>
      %dma_wait3A_91 = arith.constant 0 : i32
      %dma_wait3A_92 = tpu.memref_slice %arg3[%add3A_81, %dma_wait3A_91] : memref<576x11264xi32, #tpu.memory_space<hbm>> -> memref<1x11264xi32, #tpu.memory_space<hbm>>
      %dma_wait3A_93 = tpu.memref_squeeze %dma_wait3A_92 : memref<1x11264xi32, #tpu.memory_space<hbm>> -> memref<11264xi32, #tpu.memory_space<hbm>>
      tpu.wait_dma2 semaphore(%arg11 : memref<!tpu.dma_semaphore, #tpu.memory_space<semaphore_mem>>) src(%dma_wait3A_93 : memref<11264xi32, #tpu.memory_space<hbm>>) dst(%dma_wait3A_90 : memref<11264xi32, #tpu.memory_space<vmem>>)
      %add3A_94 = arith.addi %mul3A_2, %add3A_80 : i32
      %dma_wait3A_95 = arith.constant 0 : i32
      %dma_wait3A_96 = arith.constant 0 : i32
      %dma_wait3A_97 = tpu.memref_slice %arg9[%dma_wait3A_95, %dma_wait3A_96] : memref<2x11264xi32, #tpu.memory_space<vmem>> -> memref<1x11264xi32, #tpu.memory_space<vmem>>
      %dma_wait3A_98 = tpu.memref_squeeze %dma_wait3A_97 : memref<1x11264xi32, #tpu.memory_space<vmem>> -> memref<11264xi32, #tpu.memory_space<vmem>>
      %dma_wait3A_99 = arith.constant 0 : i32
      %dma_wait3A_100 = tpu.memref_slice %arg4[%add3A_94, %dma_wait3A_99] : memref<576x11264xi32, #tpu.memory_space<hbm>> -> memref<1x11264xi32, #tpu.memory_space<hbm>>
      %dma_wait3A_101 = tpu.memref_squeeze %dma_wait3A_100 : memref<1x11264xi32, #tpu.memory_space<hbm>> -> memref<11264xi32, #tpu.memory_space<hbm>>
      %dma_wait3A_102 = arith.constant 0 : i32
      %dma_wait3A_103 = tpu.memref_slice %arg9[%dma_wait3A_95, %dma_wait3A_102] : memref<2x11264xi32, #tpu.memory_space<vmem>> -> memref<1x11264xi32, #tpu.memory_space<vmem>>
      %dma_wait3A_104 = tpu.memref_squeeze %dma_wait3A_103 : memref<1x11264xi32, #tpu.memory_space<vmem>> -> memref<11264xi32, #tpu.memory_space<vmem>>
      %dma_wait3A_105 = arith.constant 0 : i32
      %dma_wait3A_106 = tpu.memref_slice %arg4[%add3A_94, %dma_wait3A_105] : memref<576x11264xi32, #tpu.memory_space<hbm>> -> memref<1x11264xi32, #tpu.memory_space<hbm>>
      %dma_wait3A_107 = tpu.memref_squeeze %dma_wait3A_106 : memref<1x11264xi32, #tpu.memory_space<hbm>> -> memref<11264xi32, #tpu.memory_space<hbm>>
      tpu.wait_dma2 semaphore(%arg13 : memref<!tpu.dma_semaphore, #tpu.memory_space<semaphore_mem>>) src(%dma_wait3A_107 : memref<11264xi32, #tpu.memory_space<hbm>>) dst(%dma_wait3A_104 : memref<11264xi32, #tpu.memory_space<vmem>>)
      %parallel_loop3A = arith.constant 0 : i32
      %parallel_loop3A_108 = arith.constant 704 : i32
      %parallel_loop3A_109 = arith.constant 1 : i32
      scf.for %parallel_loop3A_156 = %parallel_loop3A to %parallel_loop3A_108 step %parallel_loop3A_109  : i32 {
        %parallel_loop3A_157 = arith.constant 16 : i32
        %parallel_loop3A_158 = arith.muli %parallel_loop3A_156, %parallel_loop3A_157 : i32
        %parallel_loop3A_159 = arith.constant 0 : i32
        %parallel_loop3A_160 = arith.index_cast %parallel_loop3A_159 : i32 to index
        %parallel_loop3A_161 = arith.index_cast %parallel_loop3A_158 : i32 to index
        %parallel_loop3A_162 = tpu.vector_load %arg9[%parallel_loop3A_160, %parallel_loop3A_161] {strides = array<i32>} : memref<2x11264xi32, #tpu.memory_space<vmem>>, vector<16xi32>,
        %parallel_loop3A_163 = arith.constant 0 : i32
        %parallel_loop3A_164 = arith.index_cast %parallel_loop3A_163 : i32 to index
        %parallel_loop3A_165 = arith.index_cast %parallel_loop3A_158 : i32 to index
        %parallel_loop3A_166 = tpu.vector_load %arg8[%parallel_loop3A_164, %parallel_loop3A_165] {strides = array<i32>} : memref<2x11264xi32, #tpu.memory_space<vmem>>, vector<16xi32>,
        %parallel_loop3A_167 = vector.bitcast %parallel_loop3A_162 : vector<16xi32> to vector<16xi32>
        %parallel_loop3A_168 = arith.muli %parallel_loop3A_167, %broadcast_in_dim3A_3 : vector<16xi32>
        %parallel_loop3A_169 = arith.cmpi ule, %parallel_loop3A_168, %broadcast_in_dim3A_5 : vector<16xi32>
        %parallel_loop3A_170 = arith.constant 1 : i32
        %parallel_loop3A_171 = vector.broadcast %parallel_loop3A_170 : i32 to vector<16xi32>
        %parallel_loop3A_172 = arith.shrui %parallel_loop3A_166, %parallel_loop3A_171 : vector<16xi32>
        %parallel_loop3A_173 = tpu.vector_load_idx %arg7[%parallel_loop3A_172] : memref<50304xi32, #tpu.memory_space<vmem>>[vector<16xi32>], vector<16xi32>,
        %parallel_loop3A_174 = vector.bitcast %parallel_loop3A_173 : vector<16xi32> to vector<16xi32>
        %parallel_loop3A_175 = arith.andi %parallel_loop3A_166, %broadcast_in_dim3A_9 : vector<16xi32>
        %parallel_loop3A_176 = arith.cmpi eq, %parallel_loop3A_175, %broadcast_in_dim3A_9 : vector<16xi32>
        %parallel_loop3A_177 = arith.andi %parallel_loop3A_174, %broadcast_in_dim3A_7 : vector<16xi32>
        %parallel_loop3A_178 = arith.constant 16 : i32
        %parallel_loop3A_179 = vector.broadcast %parallel_loop3A_178 : i32 to vector<16xi32>
        %parallel_loop3A_180 = arith.shli %parallel_loop3A_174, %parallel_loop3A_179 : vector<16xi32>
        %parallel_loop3A_181 = arith.select %parallel_loop3A_176, %parallel_loop3A_177, %parallel_loop3A_180 : vector<16xi1>, vector<16xi32>
        %parallel_loop3A_182 = vector.bitcast %parallel_loop3A_181 : vector<16xi32> to vector<16xf32>
        %parallel_loop3A_183 = vector.bitcast %parallel_loop3A_168 : vector<16xi32> to vector<16xi32>
        tpu.vector_store_idx %arg10[%parallel_loop3A_183], %parallel_loop3A_182 masked %parallel_loop3A_169 {add = true} : memref<33408xf32, #tpu.memory_space<vmem>>[vector<16xi32>], vector<16xf32>, vector<16xi1>
      } {sc.loop_unroll_factor = 8 : i64, sc.parallel_access}
      %add3A_110 = arith.constant 2 : i32
      %add3A_111 = arith.addi %add3A_80, %add3A_110 : i32
      %lt3A = arith.constant 18 : i32
      %lt3A_112 = arith.cmpi slt, %add3A_111, %lt3A : i32
      %convert_element_type3A = arith.extui %lt3A_112 : i1 to i32
      %cond3A = arith.constant 0 : i32
      %cond3A_113 = arith.cmpi ne, %convert_element_type3A, %cond3A : i32
      scf.if %cond3A_113 {
        %add3A_156 = arith.constant 2 : i32
        %add3A_157 = arith.addi %add3A_80, %add3A_156 : i32
        %add3A_158 = arith.addi %mul3A_2, %add3A_157 : i32
        %dma_start3A_159 = arith.constant 0 : i32
        %dma_start3A_160 = arith.constant 0 : i32
        %dma_start3A_161 = tpu.memref_slice %arg8[%dma_start3A_159, %dma_start3A_160] : memref<2x11264xi32, #tpu.memory_space<vmem>> -> memref<1x11264xi32, #tpu.memory_space<vmem>>
        %dma_start3A_162 = tpu.memref_squeeze %dma_start3A_161 : memref<1x11264xi32, #tpu.memory_space<vmem>> -> memref<11264xi32, #tpu.memory_space<vmem>>
        %dma_start3A_163 = arith.constant 0 : i32
        %dma_start3A_164 = tpu.memref_slice %arg3[%add3A_158, %dma_start3A_163] : memref<576x11264xi32, #tpu.memory_space<hbm>> -> memref<1x11264xi32, #tpu.memory_space<hbm>>
        %dma_start3A_165 = tpu.memref_squeeze %dma_start3A_164 : memref<1x11264xi32, #tpu.memory_space<hbm>> -> memref<11264xi32, #tpu.memory_space<hbm>>
        %dma_start3A_166 = arith.constant 0 : i32
        %dma_start3A_167 = tpu.memref_slice %arg8[%dma_start3A_159, %dma_start3A_166] : memref<2x11264xi32, #tpu.memory_space<vmem>> -> memref<1x11264xi32, #tpu.memory_space<vmem>>
        %dma_start3A_168 = tpu.memref_squeeze %dma_start3A_167 : memref<1x11264xi32, #tpu.memory_space<vmem>> -> memref<11264xi32, #tpu.memory_space<vmem>>
        %dma_start3A_169 = arith.constant 0 : i32
        %dma_start3A_170 = tpu.memref_slice %arg3[%add3A_158, %dma_start3A_169] : memref<576x11264xi32, #tpu.memory_space<hbm>> -> memref<1x11264xi32, #tpu.memory_space<hbm>>
        %dma_start3A_171 = tpu.memref_squeeze %dma_start3A_170 : memref<1x11264xi32, #tpu.memory_space<hbm>> -> memref<11264xi32, #tpu.memory_space<hbm>>
        tpu.enqueue_dma source(%dma_start3A_171 : memref<11264xi32, #tpu.memory_space<hbm>>) target(%dma_start3A_168 : memref<11264xi32, #tpu.memory_space<vmem>>) target_semaphore(%arg11 : memref<!tpu.dma_semaphore, #tpu.memory_space<semaphore_mem>>)
        %add3A_172 = arith.addi %mul3A_2, %add3A_157 : i32
        %dma_start3A_173 = arith.constant 0 : i32
        %dma_start3A_174 = arith.constant 0 : i32
        %dma_start3A_175 = tpu.memref_slice %arg9[%dma_start3A_173, %dma_start3A_174] : memref<2x11264xi32, #tpu.memory_space<vmem>> -> memref<1x11264xi32, #tpu.memory_space<vmem>>
        %dma_start3A_176 = tpu.memref_squeeze %dma_start3A_175 : memref<1x11264xi32, #tpu.memory_space<vmem>> -> memref<11264xi32, #tpu.memory_space<vmem>>
        %dma_start3A_177 = arith.constant 0 : i32
        %dma_start3A_178 = tpu.memref_slice %arg4[%add3A_172, %dma_start3A_177] : memref<576x11264xi32, #tpu.memory_space<hbm>> -> memref<1x11264xi32, #tpu.memory_space<hbm>>
        %dma_start3A_179 = tpu.memref_squeeze %dma_start3A_178 : memref<1x11264xi32, #tpu.memory_space<hbm>> -> memref<11264xi32, #tpu.memory_space<hbm>>
        %dma_start3A_180 = arith.constant 0 : i32
        %dma_start3A_181 = tpu.memref_slice %arg9[%dma_start3A_173, %dma_start3A_180] : memref<2x11264xi32, #tpu.memory_space<vmem>> -> memref<1x11264xi32, #tpu.memory_space<vmem>>
        %dma_start3A_182 = tpu.memref_squeeze %dma_start3A_181 : memref<1x11264xi32, #tpu.memory_space<vmem>> -> memref<11264xi32, #tpu.memory_space<vmem>>
        %dma_start3A_183 = arith.constant 0 : i32
        %dma_start3A_184 = tpu.memref_slice %arg4[%add3A_172, %dma_start3A_183] : memref<576x11264xi32, #tpu.memory_space<hbm>> -> memref<1x11264xi32, #tpu.memory_space<hbm>>
        %dma_start3A_185 = tpu.memref_squeeze %dma_start3A_184 : memref<1x11264xi32, #tpu.memory_space<hbm>> -> memref<11264xi32, #tpu.memory_space<hbm>>
        tpu.enqueue_dma source(%dma_start3A_185 : memref<11264xi32, #tpu.memory_space<hbm>>) target(%dma_start3A_182 : memref<11264xi32, #tpu.memory_space<vmem>>) target_semaphore(%arg13 : memref<!tpu.dma_semaphore, #tpu.memory_space<semaphore_mem>>)
      } else {
      }
      %mul3A_114 = arith.constant 2 : i32
      %mul3A_115 = arith.muli %mul3A_114, %scan3A_76 : i32
      %add3A_116 = arith.constant 1 : i32
      %add3A_117 = arith.addi %mul3A_115, %add3A_116 : i32
      %add3A_118 = arith.addi %mul3A_2, %add3A_117 : i32
      %dma_wait3A_119 = arith.constant 1 : i32
      %dma_wait3A_120 = arith.constant 0 : i32
      %dma_wait3A_121 = tpu.memref_slice %arg8[%dma_wait3A_119, %dma_wait3A_120] : memref<2x11264xi32, #tpu.memory_space<vmem>> -> memref<1x11264xi32, #tpu.memory_space<vmem>>
      %dma_wait3A_122 = tpu.memref_squeeze %dma_wait3A_121 : memref<1x11264xi32, #tpu.memory_space<vmem>> -> memref<11264xi32, #tpu.memory_space<vmem>>
      %dma_wait3A_123 = arith.constant 0 : i32
      %dma_wait3A_124 = tpu.memref_slice %arg3[%add3A_118, %dma_wait3A_123] : memref<576x11264xi32, #tpu.memory_space<hbm>> -> memref<1x11264xi32, #tpu.memory_space<hbm>>
      %dma_wait3A_125 = tpu.memref_squeeze %dma_wait3A_124 : memref<1x11264xi32, #tpu.memory_space<hbm>> -> memref<11264xi32, #tpu.memory_space<hbm>>
      %dma_wait3A_126 = arith.constant 0 : i32
      %dma_wait3A_127 = tpu.memref_slice %arg8[%dma_wait3A_119, %dma_wait3A_126] : memref<2x11264xi32, #tpu.memory_space<vmem>> -> memref<1x11264xi32, #tpu.memory_space<vmem>>
      %dma_wait3A_128 = tpu.memref_squeeze %dma_wait3A_127 : memref<1x11264xi32, #tpu.memory_space<vmem>> -> memref<11264xi32, #tpu.memory_space<vmem>>
      %dma_wait3A_129 = arith.constant 0 : i32
      %dma_wait3A_130 = tpu.memref_slice %arg3[%add3A_118, %dma_wait3A_129] : memref<576x11264xi32, #tpu.memory_space<hbm>> -> memref<1x11264xi32, #tpu.memory_space<hbm>>
      %dma_wait3A_131 = tpu.memref_squeeze %dma_wait3A_130 : memref<1x11264xi32, #tpu.memory_space<hbm>> -> memref<11264xi32, #tpu.memory_space<hbm>>
      tpu.wait_dma2 semaphore(%arg12 : memref<!tpu.dma_semaphore, #tpu.memory_space<semaphore_mem>>) src(%dma_wait3A_131 : memref<11264xi32, #tpu.memory_space<hbm>>) dst(%dma_wait3A_128 : memref<11264xi32, #tpu.memory_space<vmem>>)
      %add3A_132 = arith.addi %mul3A_2, %add3A_117 : i32
      %dma_wait3A_133 = arith.constant 1 : i32
      %dma_wait3A_134 = arith.constant 0 : i32
      %dma_wait3A_135 = tpu.memref_slice %arg9[%dma_wait3A_133, %dma_wait3A_134] : memref<2x11264xi32, #tpu.memory_space<vmem>> -> memref<1x11264xi32, #tpu.memory_space<vmem>>
      %dma_wait3A_136 = tpu.memref_squeeze %dma_wait3A_135 : memref<1x11264xi32, #tpu.memory_space<vmem>> -> memref<11264xi32, #tpu.memory_space<vmem>>
      %dma_wait3A_137 = arith.constant 0 : i32
      %dma_wait3A_138 = tpu.memref_slice %arg4[%add3A_132, %dma_wait3A_137] : memref<576x11264xi32, #tpu.memory_space<hbm>> -> memref<1x11264xi32, #tpu.memory_space<hbm>>
      %dma_wait3A_139 = tpu.memref_squeeze %dma_wait3A_138 : memref<1x11264xi32, #tpu.memory_space<hbm>> -> memref<11264xi32, #tpu.memory_space<hbm>>
      %dma_wait3A_140 = arith.constant 0 : i32
      %dma_wait3A_141 = tpu.memref_slice %arg9[%dma_wait3A_133, %dma_wait3A_140] : memref<2x11264xi32, #tpu.memory_space<vmem>> -> memref<1x11264xi32, #tpu.memory_space<vmem>>
      %dma_wait3A_142 = tpu.memref_squeeze %dma_wait3A_141 : memref<1x11264xi32, #tpu.memory_space<vmem>> -> memref<11264xi32, #tpu.memory_space<vmem>>
      %dma_wait3A_143 = arith.constant 0 : i32
      %dma_wait3A_144 = tpu.memref_slice %arg4[%add3A_132, %dma_wait3A_143] : memref<576x11264xi32, #tpu.memory_space<hbm>> -> memref<1x11264xi32, #tpu.memory_space<hbm>>
      %dma_wait3A_145 = tpu.memref_squeeze %dma_wait3A_144 : memref<1x11264xi32, #tpu.memory_space<hbm>> -> memref<11264xi32, #tpu.memory_space<hbm>>
      tpu.wait_dma2 semaphore(%arg14 : memref<!tpu.dma_semaphore, #tpu.memory_space<semaphore_mem>>) src(%dma_wait3A_145 : memref<11264xi32, #tpu.memory_space<hbm>>) dst(%dma_wait3A_142 : memref<11264xi32, #tpu.memory_space<vmem>>)
      %parallel_loop3A_146 = arith.constant 0 : i32
      %parallel_loop3A_147 = arith.constant 704 : i32
      %parallel_loop3A_148 = arith.constant 1 : i32
      scf.for %parallel_loop3A_156 = %parallel_loop3A_146 to %parallel_loop3A_147 step %parallel_loop3A_148  : i32 {
        %parallel_loop3A_157 = arith.constant 16 : i32
        %parallel_loop3A_158 = arith.muli %parallel_loop3A_156, %parallel_loop3A_157 : i32
        %parallel_loop3A_159 = arith.constant 1 : i32
        %parallel_loop3A_160 = arith.index_cast %parallel_loop3A_159 : i32 to index
        %parallel_loop3A_161 = arith.index_cast %parallel_loop3A_158 : i32 to index
        %parallel_loop3A_162 = tpu.vector_load %arg9[%parallel_loop3A_160, %parallel_loop3A_161] {strides = array<i32>} : memref<2x11264xi32, #tpu.memory_space<vmem>>, vector<16xi32>,
        %parallel_loop3A_163 = arith.constant 1 : i32
        %parallel_loop3A_164 = arith.index_cast %parallel_loop3A_163 : i32 to index
        %parallel_loop3A_165 = arith.index_cast %parallel_loop3A_158 : i32 to index
        %parallel_loop3A_166 = tpu.vector_load %arg8[%parallel_loop3A_164, %parallel_loop3A_165] {strides = array<i32>} : memref<2x11264xi32, #tpu.memory_space<vmem>>, vector<16xi32>,
        %parallel_loop3A_167 = vector.bitcast %parallel_loop3A_162 : vector<16xi32> to vector<16xi32>
        %parallel_loop3A_168 = arith.muli %parallel_loop3A_167, %broadcast_in_dim3A_3 : vector<16xi32>
        %parallel_loop3A_169 = arith.cmpi ule, %parallel_loop3A_168, %broadcast_in_dim3A_5 : vector<16xi32>
        %parallel_loop3A_170 = arith.constant 1 : i32
        %parallel_loop3A_171 = vector.broadcast %parallel_loop3A_170 : i32 to vector<16xi32>
        %parallel_loop3A_172 = arith.shrui %parallel_loop3A_166, %parallel_loop3A_171 : vector<16xi32>
        %parallel_loop3A_173 = tpu.vector_load_idx %arg7[%parallel_loop3A_172] : memref<50304xi32, #tpu.memory_space<vmem>>[vector<16xi32>], vector<16xi32>,
        %parallel_loop3A_174 = vector.bitcast %parallel_loop3A_173 : vector<16xi32> to vector<16xi32>
        %parallel_loop3A_175 = arith.andi %parallel_loop3A_166, %broadcast_in_dim3A_9 : vector<16xi32>
        %parallel_loop3A_176 = arith.cmpi eq, %parallel_loop3A_175, %broadcast_in_dim3A_9 : vector<16xi32>
        %parallel_loop3A_177 = arith.andi %parallel_loop3A_174, %broadcast_in_dim3A_7 : vector<16xi32>
        %parallel_loop3A_178 = arith.constant 16 : i32
        %parallel_loop3A_179 = vector.broadcast %parallel_loop3A_178 : i32 to vector<16xi32>
        %parallel_loop3A_180 = arith.shli %parallel_loop3A_174, %parallel_loop3A_179 : vector<16xi32>
        %parallel_loop3A_181 = arith.select %parallel_loop3A_176, %parallel_loop3A_177, %parallel_loop3A_180 : vector<16xi1>, vector<16xi32>
        %parallel_loop3A_182 = vector.bitcast %parallel_loop3A_181 : vector<16xi32> to vector<16xf32>
        %parallel_loop3A_183 = vector.bitcast %parallel_loop3A_168 : vector<16xi32> to vector<16xi32>
        tpu.vector_store_idx %arg10[%parallel_loop3A_183], %parallel_loop3A_182 masked %parallel_loop3A_169 {add = true} : memref<33408xf32, #tpu.memory_space<vmem>>[vector<16xi32>], vector<16xf32>, vector<16xi1>
      } {sc.loop_unroll_factor = 8 : i64, sc.parallel_access}
      %add3A_149 = arith.constant 2 : i32
      %add3A_150 = arith.addi %add3A_117, %add3A_149 : i32
      %lt3A_151 = arith.constant 18 : i32
      %lt3A_152 = arith.cmpi slt, %add3A_150, %lt3A_151 : i32
      %convert_element_type3A_153 = arith.extui %lt3A_152 : i1 to i32
      %cond3A_154 = arith.constant 0 : i32
      %cond3A_155 = arith.cmpi ne, %convert_element_type3A_153, %cond3A_154 : i32
      scf.if %cond3A_155 {
        %add3A_156 = arith.constant 2 : i32
        %add3A_157 = arith.addi %add3A_117, %add3A_156 : i32
        %add3A_158 = arith.addi %mul3A_2, %add3A_157 : i32
        %dma_start3A_159 = arith.constant 1 : i32
        %dma_start3A_160 = arith.constant 0 : i32
        %dma_start3A_161 = tpu.memref_slice %arg8[%dma_start3A_159, %dma_start3A_160] : memref<2x11264xi32, #tpu.memory_space<vmem>> -> memref<1x11264xi32, #tpu.memory_space<vmem>>
        %dma_start3A_162 = tpu.memref_squeeze %dma_start3A_161 : memref<1x11264xi32, #tpu.memory_space<vmem>> -> memref<11264xi32, #tpu.memory_space<vmem>>
        %dma_start3A_163 = arith.constant 0 : i32
        %dma_start3A_164 = tpu.memref_slice %arg3[%add3A_158, %dma_start3A_163] : memref<576x11264xi32, #tpu.memory_space<hbm>> -> memref<1x11264xi32, #tpu.memory_space<hbm>>
        %dma_start3A_165 = tpu.memref_squeeze %dma_start3A_164 : memref<1x11264xi32, #tpu.memory_space<hbm>> -> memref<11264xi32, #tpu.memory_space<hbm>>
        %dma_start3A_166 = arith.constant 0 : i32
        %dma_start3A_167 = tpu.memref_slice %arg8[%dma_start3A_159, %dma_start3A_166] : memref<2x11264xi32, #tpu.memory_space<vmem>> -> memref<1x11264xi32, #tpu.memory_space<vmem>>
        %dma_start3A_168 = tpu.memref_squeeze %dma_start3A_167 : memref<1x11264xi32, #tpu.memory_space<vmem>> -> memref<11264xi32, #tpu.memory_space<vmem>>
        %dma_start3A_169 = arith.constant 0 : i32
        %dma_start3A_170 = tpu.memref_slice %arg3[%add3A_158, %dma_start3A_169] : memref<576x11264xi32, #tpu.memory_space<hbm>> -> memref<1x11264xi32, #tpu.memory_space<hbm>>
        %dma_start3A_171 = tpu.memref_squeeze %dma_start3A_170 : memref<1x11264xi32, #tpu.memory_space<hbm>> -> memref<11264xi32, #tpu.memory_space<hbm>>
        tpu.enqueue_dma source(%dma_start3A_171 : memref<11264xi32, #tpu.memory_space<hbm>>) target(%dma_start3A_168 : memref<11264xi32, #tpu.memory_space<vmem>>) target_semaphore(%arg12 : memref<!tpu.dma_semaphore, #tpu.memory_space<semaphore_mem>>)
        %add3A_172 = arith.addi %mul3A_2, %add3A_157 : i32
        %dma_start3A_173 = arith.constant 1 : i32
        %dma_start3A_174 = arith.constant 0 : i32
        %dma_start3A_175 = tpu.memref_slice %arg9[%dma_start3A_173, %dma_start3A_174] : memref<2x11264xi32, #tpu.memory_space<vmem>> -> memref<1x11264xi32, #tpu.memory_space<vmem>>
        %dma_start3A_176 = tpu.memref_squeeze %dma_start3A_175 : memref<1x11264xi32, #tpu.memory_space<vmem>> -> memref<11264xi32, #tpu.memory_space<vmem>>
        %dma_start3A_177 = arith.constant 0 : i32
        %dma_start3A_178 = tpu.memref_slice %arg4[%add3A_172, %dma_start3A_177] : memref<576x11264xi32, #tpu.memory_space<hbm>> -> memref<1x11264xi32, #tpu.memory_space<hbm>>
        %dma_start3A_179 = tpu.memref_squeeze %dma_start3A_178 : memref<1x11264xi32, #tpu.memory_space<hbm>> -> memref<11264xi32, #tpu.memory_space<hbm>>
        %dma_start3A_180 = arith.constant 0 : i32
        %dma_start3A_181 = tpu.memref_slice %arg9[%dma_start3A_173, %dma_start3A_180] : memref<2x11264xi32, #tpu.memory_space<vmem>> -> memref<1x11264xi32, #tpu.memory_space<vmem>>
        %dma_start3A_182 = tpu.memref_squeeze %dma_start3A_181 : memref<1x11264xi32, #tpu.memory_space<vmem>> -> memref<11264xi32, #tpu.memory_space<vmem>>
        %dma_start3A_183 = arith.constant 0 : i32
        %dma_start3A_184 = tpu.memref_slice %arg4[%add3A_172, %dma_start3A_183] : memref<576x11264xi32, #tpu.memory_space<hbm>> -> memref<1x11264xi32, #tpu.memory_space<hbm>>
        %dma_start3A_185 = tpu.memref_squeeze %dma_start3A_184 : memref<1x11264xi32, #tpu.memory_space<hbm>> -> memref<11264xi32, #tpu.memory_space<hbm>>
        tpu.enqueue_dma source(%dma_start3A_185 : memref<11264xi32, #tpu.memory_space<hbm>>) target(%dma_start3A_182 : memref<11264xi32, #tpu.memory_space<vmem>>) target_semaphore(%arg14 : memref<!tpu.dma_semaphore, #tpu.memory_space<semaphore_mem>>)
      } else {
      }
    }
    %scan3A_73 = arith.constant 9 : i32
    %mul3A_74 = arith.constant 33408 : i32
    %mul3A_75 = arith.muli %add3A, %mul3A_74 : i32
    "tpu.region"() ({
      %run_scoped3A = tpu.sem_alloc : memref<!tpu.dma_semaphore, #tpu.memory_space<semaphore_mem>>
      %dma_start3A_76 = tpu.memref_slice %arg6[%mul3A_75] : memref<1069056xf32, #tpu.memory_space<hbm>> -> memref<33408xf32, #tpu.memory_space<hbm>>
      %dma_start3A_77 = tpu.memref_slice %arg6[%mul3A_75] : memref<1069056xf32, #tpu.memory_space<hbm>> -> memref<33408xf32, #tpu.memory_space<hbm>>
      tpu.enqueue_dma source(%arg10 : memref<33408xf32, #tpu.memory_space<vmem>>) target(%dma_start3A_77 : memref<33408xf32, #tpu.memory_space<hbm>>) target_semaphore(%run_scoped3A : memref<!tpu.dma_semaphore, #tpu.memory_space<semaphore_mem>>)
      %dma_wait3A = tpu.memref_slice %arg6[%mul3A_75] : memref<1069056xf32, #tpu.memory_space<hbm>> -> memref<33408xf32, #tpu.memory_space<hbm>>
      %dma_wait3A_78 = tpu.memref_slice %arg6[%mul3A_75] : memref<1069056xf32, #tpu.memory_space<hbm>> -> memref<33408xf32, #tpu.memory_space<hbm>>
      tpu.wait_dma2 semaphore(%run_scoped3A : memref<!tpu.dma_semaphore, #tpu.memory_space<semaphore_mem>>) src(%arg10 : memref<33408xf32, #tpu.memory_space<vmem>>) dst(%dma_wait3A_78 : memref<33408xf32, #tpu.memory_space<hbm>>)
      tpu.yield
    }) : () -> ()
    return
  }
}

module attributes {stable_mosaic.version = 14 : i64} {
  func.func @_combine_body(%arg0: memref<9xf32, #tpu.memory_space<smem>>, %arg1: memref<32x261x128xf32, #tpu.memory_space<vmem>>, %arg2: memref<261x128xf32, #tpu.memory_space<vmem>>, %arg3: memref<261x128xf32, #tpu.memory_space<vmem>>) attributes {dimension_semantics = [], scalar_prefetch = 0 : i64, scratch_operands = 0 : i64, tpu.core_type = #tpu.core_type<tc>} {
    %get3A = arith.constant 0 : index
    %get3A_0 = arith.constant 0 : index
    %get3A_1 = arith.constant 0 : index
    %get3A_2 = vector.load %arg1[%get3A, %get3A_0, %get3A_1] : memref<32x261x128xf32, #tpu.memory_space<vmem>>, vector<32x261x128xf32>
    %reduce_sum3A = arith.constant dense<0.000000e+00> : vector<261x128xf32>
    %reduce_sum3A_3 = vector.multi_reduction <add>, %get3A_2, %reduce_sum3A [0] : vector<32x261x128xf32> to vector<261x128xf32>
    %get3A_4 = arith.constant 0 : index
    %get3A_5 = memref.load %arg0[%get3A_4] : memref<9xf32, #tpu.memory_space<smem>>
    %mul3A = vector.broadcast %get3A_5 : f32 to vector<261x128xf32>
    %mul3A_6 = arith.mulf %mul3A, %reduce_sum3A_3 : vector<261x128xf32>
    %get3A_7 = arith.constant 1 : index
    %get3A_8 = memref.load %arg0[%get3A_7] : memref<9xf32, #tpu.memory_space<smem>>
    %get3A_9 = arith.constant 0 : index
    %get3A_10 = arith.constant 0 : index
    %get3A_11 = vector.load %arg2[%get3A_9, %get3A_10] : memref<261x128xf32, #tpu.memory_space<vmem>>, vector<261x128xf32>
    %mul3A_12 = vector.broadcast %get3A_8 : f32 to vector<261x128xf32>
    %mul3A_13 = arith.mulf %mul3A_12, %get3A_11 : vector<261x128xf32>
    %add3A = arith.addf %mul3A_6, %mul3A_13 : vector<261x128xf32>
    %get3A_14 = arith.constant 2 : index
    %get3A_15 = memref.load %arg0[%get3A_14] : memref<9xf32, #tpu.memory_space<smem>>
    %mul3A_16 = vector.broadcast %get3A_15 : f32 to vector<261x128xf32>
    %mul3A_17 = arith.mulf %mul3A_16, %add3A : vector<261x128xf32>
    %get3A_18 = arith.constant 3 : index
    %get3A_19 = memref.load %arg0[%get3A_18] : memref<9xf32, #tpu.memory_space<smem>>
    %add3A_20 = vector.broadcast %get3A_19 : f32 to vector<261x128xf32>
    %add3A_21 = arith.addf %mul3A_17, %add3A_20 : vector<261x128xf32>
    %max3A = arith.constant 0.000000e+00 : f32
    %max3A_22 = vector.broadcast %max3A : f32 to vector<261x128xf32>
    %max3A_23 = arith.maximumf %add3A_21, %max3A_22 : vector<261x128xf32>
    %get3A_24 = arith.constant 4 : index
    %get3A_25 = memref.load %arg0[%get3A_24] : memref<9xf32, #tpu.memory_space<smem>>
    %mul3A_26 = vector.broadcast %get3A_25 : f32 to vector<261x128xf32>
    %mul3A_27 = arith.mulf %mul3A_26, %add3A : vector<261x128xf32>
    %get3A_28 = arith.constant 5 : index
    %get3A_29 = memref.load %arg0[%get3A_28] : memref<9xf32, #tpu.memory_space<smem>>
    %add3A_30 = vector.broadcast %get3A_29 : f32 to vector<261x128xf32>
    %add3A_31 = arith.addf %mul3A_27, %add3A_30 : vector<261x128xf32>
    %max3A_32 = arith.constant 0.000000e+00 : f32
    %max3A_33 = vector.broadcast %max3A_32 : f32 to vector<261x128xf32>
    %max3A_34 = arith.maximumf %add3A_31, %max3A_33 : vector<261x128xf32>
    %get3A_35 = arith.constant 6 : index
    %get3A_36 = memref.load %arg0[%get3A_35] : memref<9xf32, #tpu.memory_space<smem>>
    %mul3A_37 = vector.broadcast %get3A_36 : f32 to vector<261x128xf32>
    %mul3A_38 = arith.mulf %mul3A_37, %max3A_23 : vector<261x128xf32>
    %get3A_39 = arith.constant 7 : index
    %get3A_40 = memref.load %arg0[%get3A_39] : memref<9xf32, #tpu.memory_space<smem>>
    %mul3A_41 = vector.broadcast %get3A_40 : f32 to vector<261x128xf32>
    %mul3A_42 = arith.mulf %mul3A_41, %max3A_34 : vector<261x128xf32>
    %add3A_43 = arith.addf %mul3A_38, %mul3A_42 : vector<261x128xf32>
    %get3A_44 = arith.constant 8 : index
    %get3A_45 = memref.load %arg0[%get3A_44] : memref<9xf32, #tpu.memory_space<smem>>
    %add3A_46 = vector.broadcast %get3A_45 : f32 to vector<261x128xf32>
    %add3A_47 = arith.addf %add3A_43, %add3A_46 : vector<261x128xf32>
    %swap3A = arith.constant 0 : index
    %swap3A_48 = arith.constant 0 : index
    %swap3A_49 = vector.load %arg3[%swap3A, %swap3A_48] : memref<261x128xf32, #tpu.memory_space<vmem>>, vector<261x128xf32>
    tpu.vector_store %arg3[%swap3A, %swap3A_48], %add3A_47 {strides = array<i32>} : memref<261x128xf32, #tpu.memory_space<vmem>>, vector<261x128xf32>,
    return
  }
}

</mosaic_0001>

<sc_bundles>
// kernel: kernel.4.cloned.1.call-start
scs
__scs_entry_jumppad:
0x0: {  	(pc) =	sbr.rel $0x88, $3  }
0x1: {  	(tag) =	ssettag $0x0;
	lr =	simm.s32 $0x1  }
0x2: {  	[smem:$0x3F99] =	sst lr;
	_ =	strace $0xD0000000  }
0x3: {  	_ = 	snop  }
0x4: {  	_ = 	snop  }
0x5: {  	_ = 	snop  }
0x6: {  	_ = 	snop  }
0x7: {  	_ = 	snop  }
__scs_overlays_trampoline_lowered:
0x8: {  	[smem:$0x3FA8] =	sst s0  }
0x9: {  	[smem:$0x3FA9] =	sst s1  }
0xa: {  	[smem:$0x3FAA] =	sst s2  }
0xb: {  	[smem:$0x3FAB] =	sst s3  }
0xc: {  	[smem:$0x3FAC] =	sst s4  }
0xd: {  	[smem:$0x3FAD] =	sst s5  }
0xe: {  	[smem:$0x3FAE] =	sst s6  }
0xf: {  	[smem:$0x3FAF] =	sst s7  }
0x10: {  	[smem:$0x3FB0] =	sst s8  }
0x11: {  	[smem:$0x3FB1] =	sst s9;
	s0 =	simm.s32 @!p0 $0x0  }
0x12: {  	s1 =	sld [smem:$0x3F97];
	s0 =	simm.s32 @p0 $0x1  }
0x13: {  	[smem:$0x3FB2] =	sst s0;
	s0 =	simm.s32 @!p1 $0x0  }
0x14: {  	s2 =	sld [smem:$0x3F96];
	s0 =	simm.s32 @p1 $0x1  }
0x15: {  	[smem:$0x3FB3] =	sst s0;
	s0 =	simm.s32 @!p2 $0x0  }
0x16: {  	s3 =	sld [smem:$0x3FDB];
	s0 =	simm.s32 @p2 $0x1  }
0x17: {  	s4 =	simm.s32 $0x1BF5;
	[smem:$0x3FB5] =	sst s0  }
0x18: {  	s0 =	sld [smem:$0x3F98];
	_ =	swait.ge [sflag:s4], $0x0  }
0x19: {  	s7 =	sld [smem:$0x3F99]  }
0x1a: {  	s8 =	sadd.s32 $0xFFFFE003, lr  }
0x1b: {  	s9 =	sadd.s32 $0xFFFFFEF7, lr;
	s5 =	simm.s32 $0xFFFFFFFF;
	p2 =	slt.u32 s8, $0xFFFFF086  }
0x1c: {  	p1 =	slt.u32 s9, $0xF7A;
	s5 =	simm.s32 @!p2 $0x0  }
0x1d: {  	s5 =	simm.s32 @p1 $0x1;
	p0 =	seq.s32 s7, s2  }
0x1e: {  	s7 =	smul.u32 @!p0 $0xF7A, s2;
	p2 =	seq.s32 @!p0 s5, $0x0  }
0x1f: {  	s9 =	smul.u32 $0xF7A, s1;
	s8 =	simm.s32 @!p0 $0x1BF5;
	p2 =	por !p2, p0  }
0x20: {  	[sflag:s8] =	ssyncset.s32 @!p0 $0xFFFFF086;
	s6 =	sadd.s32 @!p0 s3, s7;
	s7 =	simm.s32 @!p0 $0x108  }
0x21: {  	s3 =	sadd.s32 s3, s9;
	s6 =	sadd.s32 @!p0 $0x88, s6;
	s7 =	simm.s32 @p2 $0x1082  }
0x22: {  	[simem:s7], [sflag:s8] =	dma.local @!p0 [hbm:s6], $0xF7A  }
0x23: {  	s9 =	sor.u32 $0xD0000000, s2;
	s6 =	simm.s32 $0x108;
	_ =	swait.ge @!p0 [sflag:s8], $0x0  }
0x24: {  	s3 =	sadd.s32 $0x88, s3;
	s6 =	simm.s32 @!p1 $0x1082;
	[sflag:s4] =	ssyncset.s32 $0xFFFFF086  }
0x25: {  	[simem:s6], [sflag:s4] =	dma.local [hbm:s3], $0xF7A  }
0x26: {  	[smem:$0x3F99] =	sst s1;
	(tag) =	ssettag s2;
	_ =	strace s9  }
0x27: {  	s1 =	sld [smem:$0x3FA9]  }
0x28: {  	s2 =	sld [smem:$0x3FAA]  }
0x29: {  	s4 =	sld [smem:$0x3FAC]  }
0x2a: {  	p0 =	seq.s32 s5, $0x0;
	s5 =	sld [smem:$0x3FAD]  }
0x2b: {  	s6 =	sld [smem:$0x3FAE]  }
0x2c: {  	s7 =	sld [smem:$0x3FAF]  }
0x2d: {  	s3 =	simm.s32 $0x108;
	s8 =	sld [smem:$0x3FB0]  }
0x2e: {  	s3 =	simm.s32 @!p0 $0x1082;
	s9 =	sld [smem:$0x3FB1]  }
0x2f: {  	lr =	sadd.s32 s0, s3;
	s0 =	sld [smem:$0x3FA8]  }
0x30: {  	s3 =	sld [smem:$0x3FAB]  }
0x31: {  	[smem:$0x3FB4] =	sst s10  }
0x32: {  	s10 =	sld [smem:$0x3FB2];
	_ =	sdelay $0x3  }
0x33: {  	p0 =	seq.s32 s10, $0x1;
	s10 =	sld [smem:$0x3FB4];
	_ =	sdelay $0x3  }
0x34: {  	[smem:$0x3FB4] =	sst s10  }
0x35: {  	s10 =	sld [smem:$0x3FB3];
	_ =	sdelay $0x3  }
0x36: {  	p1 =	seq.s32 s10, $0x1;
	s10 =	sld [smem:$0x3FB4];
	_ =	sdelay $0x3  }
0x37: {  	[smem:$0x3FB4] =	sst s10  }
0x38: {  	s10 =	sld [smem:$0x3FB5]  }
0x39: {  	_ = 	snop;
	(pc) =	sbr.ind lr, $3  }
0x3a: {  	_ = 	snop  }
0x3b: {  	_ = 	snop  }
0x3c: {  	p2 =	seq.s32 s10, $0x1;
	s10 =	sld [smem:$0x3FB4]  }
0x3d: {  	_ =	shalt  }
0x3e: {  	_ =	shalt  }
0x3f: {  	_ =	shalt  }
0x40: {  	_ =	shalt  }
0x41: {  	_ =	shalt  }
0x42: {  	_ =	shalt  }
0x43: {  	_ =	shalt  }
0x44: {  	_ =	shalt  }
0x45: {  	_ =	shalt  }
0x46: {  	_ =	shalt  }
0x47: {  	_ =	shalt  }
0x48: {  	_ =	shalt  }
0x49: {  	_ =	shalt  }
0x4a: {  	_ =	shalt  }
0x4b: {  	_ =	shalt  }
0x4c: {  	_ =	shalt  }
0x4d: {  	_ =	shalt  }
0x4e: {  	_ =	shalt  }
0x4f: {  	_ =	shalt  }
0x50: {  	_ =	shalt  }
0x51: {  	_ =	shalt  }
0x52: {  	_ =	shalt  }
0x53: {  	_ =	shalt  }
0x54: {  	_ =	shalt  }
0x55: {  	_ =	shalt  }
0x56: {  	_ =	shalt  }
0x57: {  	_ =	shalt  }
0x58: {  	_ =	shalt  }
0x59: {  	_ =	shalt  }
0x5a: {  	_ =	shalt  }
0x5b: {  	_ =	shalt  }
0x5c: {  	_ =	shalt  }
0x5d: {  	_ =	shalt  }
0x5e: {  	_ =	shalt  }
0x5f: {  	_ =	shalt  }
0x60: {  	_ =	shalt  }
0x61: {  	_ =	shalt  }
0x62: {  	_ =	shalt  }
0x63: {  	_ =	shalt  }
0x64: {  	_ =	shalt  }
0x65: {  	_ =	shalt  }
0x66: {  	_ =	shalt  }
0x67: {  	_ =	shalt  }
0x68: {  	_ =	shalt  }
0x69: {  	_ =	shalt  }
0x6a: {  	_ =	shalt  }
0x6b: {  	_ =	shalt  }
0x6c: {  	_ =	shalt  }
0x6d: {  	_ =	shalt  }
0x6e: {  	_ =	shalt  }
0x6f: {  	_ =	shalt  }
0x70: {  	_ =	shalt  }
0x71: {  	_ =	shalt  }
0x72: {  	_ =	shalt  }
0x73: {  	_ =	shalt  }
0x74: {  	_ =	shalt  }
0x75: {  	_ =	shalt  }
0x76: {  	_ =	shalt  }
0x77: {  	_ =	shalt  }
0x78: {  	_ =	shalt  }
0x79: {  	_ =	shalt  }
0x7a: {  	_ =	shalt  }
0x7b: {  	_ =	shalt  }
0x7c: {  	_ =	shalt  }
0x7d: {  	_ =	shalt  }
0x7e: {  	_ =	shalt  }
0x7f: {  	_ =	shalt  }
0x80: {  	_ =	shalt  }
0x81: {  	_ =	shalt  }
0x82: {  	_ =	shalt  }
0x83: {  	_ =	shalt  }
0x84: {  	_ =	shalt  }
0x85: {  	_ =	shalt  }
0x86: {  	_ =	shalt  }
0x87: {  	_ =	shalt  }
.Lfunc_end0:
.L_simem_size_0:
called_computation_lowered:
.L_overlay_start_0:
0x88: {  	s2 =	sld [smem:$0x3FD9]  }
0x89: {  	s3 =	sld [smem:$0x3FFE];
	_ =	sdelay $0x1  }
0x8a: {  	s1 =	srdreg.scid  }
0x8b: {  	s0 =	sand.u32 $0x1, s1  }
0x8c: {  	s17 =	sshll.u32 s0, $0xA;
	s2 =	sadd.s32 s3, s2  }
0x8d: {  	s2 =	sadd.s32 s2, s17  }
0x8e: {  	[smem:$0x3FC0] =	sst s2  }
0x8f: {  	_ = 	snop  }
0x90: {  	s2 =	sld [smem:$0x3FD0];
	(tm) =	ssettm $0x1  }
0x91: {  	s18 =	sld [smem:$0x3FFB];
	_ =	sdelay $0x3  }
0x92: {  	_ =	strace s18  }
0x93: {  	s3 =	sld [smem:$0x3FFC];
	_ =	sdelay $0x3  }
0x94: {  	_ =	strace s3  }
0x95: {  	s3 =	sld [smem:$0x3FFD];
	_ =	sdelay $0x3  }
0x96: {  	_ =	strace s3  }
0x97: {  	_ =	strace $0x8FFFFFFF  }
0x98: {  	s19 =	sld [smem:$0x3FDB];
	_ =	sdelay $0x1  }
0x99: {  	s4 =	simm.s32 $_scs_section_size  }
0x9a: {  	s5 =	simm.s32 $_size__tile_overlayer_lowered;
	s6 =	simm.s32 $_tile_overlayer_lowered  }
0x9b: {  	s22 =	simm.s32 $0x1BFF;
	s21 =	sshll.u32 s6, $0x1;
	s3 =	sadd.s32 s4, s19  }
0x9c: {  	s7 =	simm.s32 $0x0;
	s20 =	sshll.u32 s5, $0x1;
	s5 =	sadd.s32 s21, s3  }
0x9d: {  	[timem:s7], [sflag:s22] =	dma.local [hbm:s5], s20  }
0x9e: {  	_ =	swait.ge [sflag:s22], s20  }
0x9f: {  	s4 =	ssub.s32 $0x0, s20;
	[sflag:s22] =	ssyncset.done $0x0  }
0xa0: {  	[sflag:s22] =	ssyncadd.s32 s4;
	_ =	sdelay $0x1  }
0xa1: {  	s23 =	simm.s32 $0x1B8B  }
0xa2: {  	_ =	swait.ge [sflag:s23], $0x1  }
0xa3: {  	[sflag:s23] =	ssyncset.done $0x0  }
0xa4: {  	s25 =	simm.s32 $0x1B8E;
	s24 =	sld [smem:$0x3FFE];
	[sflag:s23] =	ssyncadd.s32 $0xFFFFFFFF  }
0xa5: {  	s26 =	simm.s32 $execute0_lowered;
	[smem:$0x3FD2] =	sst s25  }
0xa6: {  	s5 =	sshll.u32 s26, $0x1;
	_ =	strace $0x80000046;
	[dreg:$0x1] =	wrdreg $0xFFFFFFFF  }
0xa7: {  	s28 =	simm.s32 $_size_execute0_lowered;
	s3 =	sadd.s32 s3, s5;
	[dreg:$0x0] =	wrdreg $0x0  }
0xa8: {  	s5 =	sshll.u32 s28, $0x1;
	[dreg:$0x2] =	wrdreg s3  }
0xa9: {  	[dreg:$0x3] =	wrdreg s5  }
0xaa: {  	[dreg:$0x4] =	wrdreg $0xC0  }
0xab: {  	_ =	task [dreg:s7], $0x5FFFF  }
0xac: {  	[dreg:$0x1] =	wrdreg $0xFFFFFFFF  }
0xad: {  	[dreg:$0x0] =	wrdreg $0x60  }
0xae: {  	[dreg:$0x2] =	wrdreg s24  }
0xaf: {  	[dreg:$0x3] =	wrdreg s2  }
0xb0: {  	[dreg:$0x4] =	wrdreg $0x9  }
0xb1: {  	_ =	task.clear_ibuf [dreg:s7], $0x5FFFF;
	_ =	strace $0x90000046  }
0xb2: {  	s29 =	simm.s32 $0x9;
	_ =	strace $0x80000048  }
0xb3: {  	_ =	swait.ge [sflag:s29], $0x1  }
0xb4: {  	[sflag:s29] =	ssyncadd.s32 $0xFFFFFFFF  }
0xb5: {  	_ =	strace $0x90000048  }
0xb6: {  	_ =	sfence  }
0xb7: {  	s30 =	sld [smem:$0x0];
	_ =	sdelay $0x2  }
0xb8: {  	s31 =	sshll.u32 s1, $0xD;
	s1 =	sshrl.u32 s1, $0x2  }
0xb9: {  	s3 =	sand.u32 $0x4000, s31;
	s1 =	sadd.s32 s1, s30  }
0xba: {  	s0 =	sor.u32 s3, s0;
	s1 =	sshll.u32 s1, $0x11  }
0xbb: {  	s0 =	sor.u32 s1, s0  }
0xbc: {  	s0 =	sadd.s32 $0x8F2B, s0  }
0xbd: {  	[sflag:s0] =	ssyncadd.remote.s32 $0x1  }
0xbe: {  	_ =	sfence.sel $0xFFFF  }
0xbf: {  	[dreg:$0x0] =	wrdreg $0xFFFFFFFF;
	(pc) =	sbr.abs _section_cstart, $3  }
0xc0: {  	[dreg:$0x1] =	wrdreg $0xFFFFFFFF  }
0xc1: {  	_ =	task.clear_ibuf [dreg:s7], $0x2FFFF;
	_ =	strace $0x9FFFFFFF  }
0xc2: {  	(tm) =	ssettm $0x7FFFFFFF  }
0xc3: {  	_ =	shalt  }
tec
execute0_lowered:
.L_overlay_start_1:
0x0: {  	(tag) =	ssettag $0x1  }
0x1: {  	s7 =	rddreg [dreg:$0x0]  }
0x2: {  	s2 =	rddreg [dreg:$0x1]  }
0x3: {  	s4 =	srdreg.scid;
	s1 =	stileid.u32  }
0x4: {  	s3 =	simm.s32 $0x0;
	s16 =	simm.s32 $0x11C80;
	s17 =	simm.s32 $0xF080  }
0x5: {  	s18 =	simm.s32 $0x14880;
	s19 =	simm.s32 $0x5;
	s20 =	simm.s32 $0x17480  }
0x6: {  	s21 =	simm.s32 $0x1;
	s6 =	sand.u32 $0x1, s4;
	s28 =	sshll.u32 s1, $0x1  }
0x7: {  	s22 =	simm.s32 $0x3;
	s23 =	simm.s32 $0x2;
	s8 =	sor.u32 s6, s28  }
0x8: {  	s24 =	simm.s32 $0x4;
	s25 =	simm.s32 $0x0;
	s9 =	smul.u32 $0x1050, s8  }
0x9: {  	[smem:$0x7FF] =	sst s3;
	s4 =	sadd.s32 $0xC4400, s7;
	s11 =	smul.u32 $0x31800, s8  }
0xa: {  	s5 =	sadd.s32 $0xC5E00, s7;
	s10 =	ssub.s32 $0x2, s6;
	s13 =	smul.u32 $0x6300, s8  }
0xb: {  	_ =	strace $0x80000047;
	s12 =	sshrl.u32 s10, $0x1;
	s30 =	smul.u32 $0x12, s8  }
.Ltmp0:
0xc: {  	s6 =	sadd.s32 $0x18BE00, s7;
	s15 =	ssub.s32 s10, s12;
	(pc) =	sbr.rel .LBB2_1-.Ltmp0, $4  }
0xd: {  	s14 =	sadd.s32 s9, s7;
	s29 =	sshrl.u32 s11, $0x3;
	s7 =	sadd.s32 s5, s13  }
0xe: {  	s8 =	sadd.s32 s6, s13;
	s11 =	sadd.s32 $0x2, s30;
	s12 =	sadd.s32 $0x3, s30  }
0xf: {  	s31 =	sadd.s32 $0x580, s29;
	s13 =	sadd.s32 $0xE00, s14;
	s14 =	smax.u32 s15, $0x1  }
0x10: {  	s15 =	simm.s32 $0xC480;
	s9 =	sadd.s32 s5, s31;
	s10 =	sadd.s32 s6, s31  }
.LBB2_8:
0x11: {  	s25 =	sadd.s32 $0x1, s25  }
0x12: {  	p0 =	sne.s32 s25, s14  }
.Ltmp1:
0x13: {  	_ = 	snop;
	(pc) =	sbr.rel @!p0 .LBB2_9-.Ltmp1, $4  }
0x14: {  	[hbm4b:s13+s3] =	stream.linear.scatter [tilespmem:s20], [sflag:$0x5], $0x8280, $0x38;
	[tilespmem:$0x1F700] =	vst v63  }
0x15: {  	_ =	swait.ge [sflag:s19], $0x8280  }
0x16: {  	[sflag:s19] =	ssyncset.done $0x0  }
0x17: {  	[sflag:s19] =	ssyncadd.s32 $0xFFFF7D80  }
.LBB2_1:
0x18: {  	[tilespmem:s15], [sflag:$0x1] =	stream.linear.gather [hbm4b:s7+s3], $0x2C00, $0x38;
	[tilespmem:$0x1F700] =	vst v63  }
0x19: {  	_ = 	snop  }
0x1a: {  	[tilespmem:s16], [sflag:$0x3] =	stream.linear.gather [hbm4b:s8+s3], $0x2C00, $0x38;
	[tilespmem:$0x1F700] =	vst v63  }
0x1b: {  	_ = 	snop  }
0x1c: {  	[tilespmem:s17], [sflag:$0x2] =	stream.linear.gather [hbm4b:s9+s3], $0x2C00, $0x38;
	[tilespmem:$0x1F700] =	vst v63  }
0x1d: {  	_ = 	snop  }
0x1e: {  	[tilespmem:s18], [sflag:$0x4] =	stream.linear.gather [hbm4b:s10+s3], $0x2C00, $0x38;
	[tilespmem:$0x1F700] =	vst v63  }
0x1f: {  	_ = 	snop  }
0x20: {  	[tilespmem:s3], [sflag:$0x5] =	stream.linear.gather [hbm4b:s4+s3], $0xC480, $0x38;
	[tilespmem:$0x1F700] =	vst v63  }
0x21: {  	_ =	swait.ge [sflag:s19], $0xC480  }
0x22: {  	[sflag:s19] =	ssyncset.done $0x0  }
0x23: {  	[sflag:s19] =	ssyncadd.s32 $0xFFFF3B80  }
0x24: {  	[tilespmem:s20], [sflag:$0x5] =	stream.linear.gather [hbm4b:s2+s3], $0x8280, $0x38;
	[tilespmem:$0x1F700] =	vst v63  }
0x25: {  	_ =	swait.ge [sflag:s19], $0x8280  }
0x26: {  	[sflag:s19] =	ssyncset.done $0x0  }
0x27: {  	s26 =	simm.s32 $0x0;
	[sflag:s19] =	ssyncadd.s32 $0xFFFF7D80  }
.LBB2_2:
0x28: {  	_ =	swait.ge [sflag:s21], $0x2C00  }
0x29: {  	[sflag:s21] =	ssyncset.done $0x0  }
0x2a: {  	[sflag:s21] =	ssyncadd.s32 $0xFFFFD400  }
0x2b: {  	_ =	swait.ge [sflag:s22], $0x2C00  }
0x2c: {  	[sflag:s22] =	ssyncset.done $0x0  }
0x2d: {  	s29 =	simm.s32 $0xC4C0;
	[sflag:s22] =	ssyncadd.s32 $0xFFFFD400  }
0x2e: {  	v0 =	vld [tilespmem:s29+$0x30]  }
0x2f: {  	v1 =	vld [tilespmem:s29+$0xFFFFFFC0]  }
0x30: {  	v8 =	vld [tilespmem:s29+$0x10]  }
0x31: {  	s28 =	simm.s32 $0x11CC0;
	v9 =	vld [tilespmem:s29+$0x20]  }
0x32: {  	v11 =	vld [tilespmem:s28+$0xFFFFFFD0]  }
0x33: {  	v12 =	vld [tilespmem:s28+$0xFFFFFFE0]  }
0x34: {  	v13 =	vld [tilespmem:s28+$0xFFFFFFF0]  }
0x35: {  	v14 =	vld [tilespmem:s28+$0x0]  }
0x36: {  	v2 =	vld [tilespmem:s29+$0xFFFFFFD0]  }
0x37: {  	v3 =	vld [tilespmem:s29+$0xFFFFFFE0];
	v6 =	vshrl.u32 v0, $0x1;
	v10 =	vshrl.u32 v1, $0x1;
	v1 =	vand.u32 $0x1, v1  }
0x38: {  	v4 =	vld [tilespmem:s29+$0xFFFFFFF0];
	v15 =	vshrl.u32 v8, $0x1;
	v8 =	vand.u32 $0x1, v8;
	v55 =	vand.u32 $0x1, v9  }
0x39: {  	v5 =	vld [tilespmem:s28+$0x30];
	v0 =	vand.u32 $0x1, v0;
	v9 =	vshrl.u32 v9, $0x1;
	v11 =	vmul.u32 $0xAAAAAAAB, v11  }
0x3a: {  	v7 =	vld [tilespmem:s29+$0x0];
	v12 =	vmul.u32 $0xAAAAAAAB, v12;
	v13 =	vmul.u32 $0xAAAAAAAB, v13;
	v14 =	vmul.u32 $0xAAAAAAAB, v14  }
0x3b: {  	v56 =	vld [tilespmem:s28+$0xFFFFFFC0];
	vm5 =	veq.s32 v1, $0x0;
	v1 =	vshrl.u32 v2, $0x1;
	v2 =	vand.u32 $0x1, v2  }
0x3c: {  	v57 =	vld [tilespmem:s28+$0x20];
	vm2 =	veq.s32 v8, $0x0;
	vm4 =	veq.s32 v55, $0x0;
	vm8 =	veq.s32 v0, $0x0  }
0x3d: {  	vm0 =	veq.s32 v2, $0x0;
	v2 =	vshrl.u32 v3, $0x1;
	v3 =	vand.u32 $0x1, v3;
	v6 =	vld.idx.msk [tilespmem:v6+s3+$0x0], $0xffff  }
0x3e: {  	vm3 =	veq.s32 v3, $0x0;
	v3 =	vshrl.u32 v4, $0x1;
	v4 =	vand.u32 $0x1, v4;
	v10 =	vld.idx.msk [tilespmem:v10+s3+$0x0], $0xffff  }
0x3f: {  	vm1 =	veq.s32 v4, $0x0;
	v4 =	vmul.u32 $0xAAAAAAAB, v5;
	v5 =	vshrl.u32 v7, $0x1;
	v9 =	vld.idx.msk [tilespmem:v9+s3+$0x0], $0xffff  }
0x40: {  	v16 =	vld [tilespmem:s28+$0x10];
	v8 =	vmul.u32 $0xAAAAAAAB, v56;
	vm9 =	vlt.u32 v11, $0x55555556;
	vm10 =	vlt.u32 v12, $0x55555556  }
0x41: {  	v7 =	vand.u32 $0x1, v7;
	vm7 =	vlt.u32 v4, $0x55555556;
	v17 =	vld.idx.msk [tilespmem:v1+s3+$0x0], $0xffff;
	v1 =	vmul.u32 $0xAAAAAAAB, v57  }
0x42: {  	vm12 =	vlt.u32 v14, $0x55555556;
	vm11 =	vlt.u32 v8, $0x55555556;
	vm6 =	veq.s32 v7, $0x0;
	v2 =	vld.idx.msk [tilespmem:v2+s3+$0x0], $0xffff  }
0x43: {  	v3 =	vld.idx.msk [tilespmem:v3+s3+$0x0], $0xffff;
	vm15 =	vlt.u32 v1, $0x55555556;
	v0 =	vand.u32 $0xFFFF0000, v6;
	v6 =	vshll.u32 v6, $0x10  }
0x44: {  	v5 =	vld.idx.msk [tilespmem:v5+s3+$0x0], $0xffff;
	v58 =	vand.u32 $0xFFFF0000, v10;
	v10 =	vshll.u32 v10, $0x10;
	v62 =	vand.u32 $0xFFFF0000, v9  }
0x45: {  	v63 =	vshll.u32 v9, $0x10;
	v6 =	vsel vm8, v6, v0;
	vm8 =	vlt.u32 v13, $0x55555556  }
0x46: {  	v15 =	vld.idx.msk [tilespmem:v15+s3+$0x0], $0xffff;
	v0 =	vmul.u32 $0xAAAAAAAB, v16;
	v59 =	vand.u32 $0xFFFF0000, v17;
	v60 =	vshll.u32 v17, $0x10  }
0x47: {  	[tilespmem:v4+s20+$0x0] =	vst.idx.add.f32.msk vm7, v6;
	v4 =	vsel vm0, v60, v59;
	v61 =	vand.u32 $0xFFFF0000, v2;
	v2 =	vshll.u32 v2, $0x10  }
0x48: {  	v7 =	vsel vm5, v10, v58;
	vm13 =	vlt.u32 v0, $0x55555556;
	[tilespmem:v11+s20+$0x0] =	vst.idx.add.f32.msk vm9, v4;
	v2 =	vsel vm3, v2, v61  }
0x49: {  	v4 =	vand.u32 $0xFFFF0000, v3;
	[tilespmem:v12+s20+$0x0] =	vst.idx.add.f32.msk vm10, v2;
	v2 =	vand.u32 $0xFFFF0000, v5;
	v5 =	vshll.u32 v5, $0x10  }
0x4a: {  	[tilespmem:v8+s20+$0x0] =	vst.idx.add.f32.msk vm11, v7;
	v3 =	vshll.u32 v3, $0x10;
	vm0 =	vmmov vm13;
	v2 =	vsel vm6, v5, v2  }
0x4b: {  	v3 =	vsel vm1, v3, v4;
	v4 =	vand.u32 $0xFFFF0000, v15;
	v5 =	vshll.u32 v15, $0x10;
	[tilespmem:v14+s20+$0x0] =	vst.idx.add.f32.msk vm12, v2  }
0x4c: {  	s30 =	simm.s32 $0xC540;
	s29 =	simm.s32 $0x0;
	vm1 =	vmmov vm15;
	v2 =	vsel vm4, v63, v62;
	[tilespmem:v13+s20+$0x0] =	vst.idx.add.f32.msk vm8, v3;
	v3 =	vsel vm2, v5, v4  }
.LBB2_3:
0x4d: {  	v4 =	vld [tilespmem:s30+$0x30];
	s29 =	sadd.s32 $0x8, s29  }
0x4e: {  	v5 =	vld [tilespmem:s30+$0xFFFFFFC0];
	p0 =	slt.u32 s29, $0x2B8  }
0x4f: {  	v6 =	vld [tilespmem:s30+$0xFFFFFFD0]  }
0x50: {  	v7 =	vld [tilespmem:s30+$0xFFFFFFE0]  }
0x51: {  	s28 =	sadd.s32 $0x80, s28;
	v8 =	vld [tilespmem:s30+$0xFFFFFFF0]  }
0x52: {  	v9 =	vld [tilespmem:s28+$0x30];
	v10 =	vshrl.u32 v4, $0x1  }
0x53: {  	v11 =	vshrl.u32 v5, $0x1;
	v5 =	vand.u32 $0x1, v5;
	v12 =	vld [tilespmem:s30+$0x0]  }
0x54: {  	vm5 =	veq.s32 v5, $0x0;
	v5 =	vshrl.u32 v6, $0x1;
	v6 =	vand.u32 $0x1, v6;
	v13 =	vld [tilespmem:s30+$0x10]  }
0x55: {  	vm4 =	veq.s32 v6, $0x0;
	v6 =	vshrl.u32 v7, $0x1;
	v7 =	vand.u32 $0x1, v7;
	v14 =	vld [tilespmem:s30+$0x20]  }
0x56: {  	v15 =	vld [tilespmem:s28+$0xFFFFFFD0];
	vm3 =	veq.s32 v7, $0x0;
	v7 =	vshrl.u32 v8, $0x1;
	v8 =	vand.u32 $0x1, v8  }
0x57: {  	vm2 =	veq.s32 v8, $0x0;
	v8 =	vmul.u32 $0xAAAAAAAB, v9;
	v9 =	vld.idx.msk [tilespmem:v10+s3+$0x0], $0xffff  }
0x58: {  	v10 =	vld [tilespmem:s28+$0xFFFFFFE0];
	v16 =	vshrl.u32 v12, $0x1;
	v12 =	vand.u32 $0x1, v12  }
0x59: {  	v17 =	vld [tilespmem:s28+$0xFFFFFFF0];
	v18 =	vshrl.u32 v13, $0x1;
	v13 =	vand.u32 $0x1, v13;
	vm9 =	vlt.u32 v8, $0x55555556  }
0x5a: {  	vm7 =	veq.s32 v12, $0x0;
	v19 =	vld [tilespmem:s28+$0x0];
	v12 =	vshrl.u32 v14, $0x1;
	v14 =	vand.u32 $0x1, v14  }
0x5b: {  	vm8 =	veq.s32 v13, $0x0;
	v15 =	vmul.u32 $0xAAAAAAAB, v15;
	v20 =	vld [tilespmem:s28+$0x10];
	vm6 =	veq.s32 v14, $0x0  }
0x5c: {  	v4 =	vand.u32 $0x1, v4;
	v13 =	vld [tilespmem:s28+$0x20]  }
0x5d: {  	vm10 =	veq.s32 v4, $0x0;
	v4 =	vand.u32 $0xFFFF0000, v9;
	v9 =	vshll.u32 v9, $0x10;
	v14 =	vld [tilespmem:s28+$0xFFFFFFC0]  }
0x5e: {  	v10 =	vmul.u32 $0xAAAAAAAB, v10;
	v4 =	vsel vm10, v9, v4;
	v11 =	vld.idx.msk [tilespmem:v11+s3+$0x0], $0xffff;
	v17 =	vmul.u32 $0xAAAAAAAB, v17  }
0x5f: {  	vm12 =	vlt.u32 v15, $0x55555556;
	v9 =	vmul.u32 $0xAAAAAAAB, v19;
	[tilespmem:v8+s20+$0x0] =	vst.idx.add.f32.msk vm9, v4  }
0x60: {  	vm13 =	vlt.u32 v10, $0x55555556;
	v4 =	vld.idx.msk [tilespmem:v5+s3+$0x0], $0xffff;
	vm10 =	vlt.u32 v17, $0x55555556;
	v5 =	vmul.u32 $0xAAAAAAAB, v20  }
0x61: {  	v6 =	vld.idx.msk [tilespmem:v6+s3+$0x0], $0xffff;
	vm9 =	vlt.u32 v9, $0x55555556;
	v8 =	vmul.u32 $0xAAAAAAAB, v13  }
0x62: {  	v13 =	vmul.u32 $0xAAAAAAAB, v14;
	v7 =	vld.idx.msk [tilespmem:v7+s3+$0x0], $0xffff;
	vm14 =	vlt.u32 v5, $0x55555556  }
0x63: {  	v14 =	vld.idx.msk [tilespmem:v16+s3+$0x0], $0xffff;
	vm11 =	vlt.u32 v8, $0x55555556  }
0x64: {  	v16 =	vand.u32 $0xFFFF0000, v11;
	v11 =	vshll.u32 v11, $0x10;
	vm15 =	vlt.u32 v13, $0x55555556;
	v18 =	vld.idx.msk [tilespmem:v18+s3+$0x0], $0xffff  }
0x65: {  	v11 =	vsel vm5, v11, v16;
	v12 =	vld.idx.msk [tilespmem:v12+s3+$0x0], $0xffff  }
0x66: {  	v16 =	vand.u32 $0xFFFF0000, v4;
	v4 =	vshll.u32 v4, $0x10;
	[tilespmem:v0+s20+$0x0] =	vst.idx.add.f32.msk vm0, v3;
	v0 =	vmovc v5;
	vm0 =	vmmov vm14  }
0x67: {  	v3 =	vsel vm4, v4, v16;
	v4 =	vand.u32 $0xFFFF0000, v6;
	v5 =	vshll.u32 v6, $0x10;
	[tilespmem:v1+s20+$0x0] =	vst.idx.add.f32.msk vm1, v2;
	v1 =	vmovc v8  }
.Ltmp2:
0x68: {  	v2 =	vsel vm3, v5, v4;
	v4 =	vshll.u32 v7, $0x10;
	[tilespmem:v15+s20+$0x0] =	vst.idx.add.f32.msk vm12, v3;
	v3 =	vand.u32 $0xFFFF0000, v7;
	(pc) =	sbr.rel @p0 .LBB2_3-.Ltmp2, $4  }
0x69: {  	[tilespmem:v10+s20+$0x0] =	vst.idx.add.f32.msk vm13, v2;
	v2 =	vsel vm2, v4, v3;
	v3 =	vand.u32 $0xFFFF0000, v14;
	v4 =	vshll.u32 v14, $0x10  }
0x6a: {  	v5 =	vshll.u32 v18, $0x10;
	[tilespmem:v13+s20+$0x0] =	vst.idx.add.f32.msk vm15, v11;
	v4 =	vsel vm7, v4, v3;
	v3 =	vand.u32 $0xFFFF0000, v18  }
0x6b: {  	[tilespmem:v17+s20+$0x0] =	vst.idx.add.f32.msk vm10, v2;
	v3 =	vsel vm8, v5, v3;
	v2 =	vand.u32 $0xFFFF0000, v12;
	v5 =	vshll.u32 v12, $0x10  }
0x6c: {  	s30 =	sadd.s32 $0x80, s30;
	vm1 =	vmmov vm11;
	[tilespmem:v9+s20+$0x0] =	vst.idx.add.f32.msk vm9, v4;
	v2 =	vsel vm6, v5, v2  }
0x6d: {  	_ =	sdelay $0x1  }
0x6e: {  	s28 =	sshll.u32 s26, $0x1;
	p0 =	seq.s32 s26, $0x8  }
0x6f: {  	s29 =	sadd.s32 @!p0 s28, s11  }
0x70: {  	s29 =	smul.u32 @!p0 $0x580, s29  }
0x71: {  	[tilespmem:v0+s20+$0x0] =	vst.idx.add.f32.msk vm0, v3  }
0x72: {  	[tilespmem:v1+s20+$0x0] =	vst.idx.add.f32.msk vm1, v2;
	s31 =	simm.s32 @!p0 $0x0;
	s0 =	simm.s32 @!p0 $0xC480;
	s30 =	sadd.s32 @!p0 s5, s29  }
0x73: {  	[tilespmem:s0], [sflag:$0x1] =	stream.linear.gather @!p0 [hbm4b:s30+s31], $0x2C00, $0x38;
	[tilespmem:$0x1F700] =	vst v63  }
0x74: {  	s0 =	sadd.s32 @!p0 s6, s29;
	s29 =	simm.s32 @!p0 $0x11C80  }
0x75: {  	[tilespmem:s29], [sflag:$0x3] =	stream.linear.gather @!p0 [hbm4b:s0+s31], $0x2C00, $0x38;
	[tilespmem:$0x1F700] =	vst v63  }
0x76: {  	_ =	swait.ge [sflag:s23], $0x2C00  }
0x77: {  	[sflag:s23] =	ssyncset.done $0x0  }
0x78: {  	[sflag:s23] =	ssyncadd.s32 $0xFFFFD400  }
0x79: {  	_ =	swait.ge [sflag:s24], $0x2C00  }
0x7a: {  	[sflag:s24] =	ssyncset.done $0x0  }
0x7b: {  	s0 =	simm.s32 $0xF0F0;
	[sflag:s24] =	ssyncadd.s32 $0xFFFFD400  }
0x7c: {  	v0 =	vld [tilespmem:s0+$0x0]  }
0x7d: {  	v1 =	vld [tilespmem:s0+$0xFFFFFF90]  }
0x7e: {  	v8 =	vld [tilespmem:s0+$0xFFFFFFE0]  }
0x7f: {  	s29 =	simm.s32 $0x148F0;
	v9 =	vld [tilespmem:s0+$0xFFFFFFF0]  }
0x80: {  	v11 =	vld [tilespmem:s29+$0xFFFFFFA0]  }
0x81: {  	v12 =	vld [tilespmem:s29+$0xFFFFFFB0]  }
0x82: {  	v13 =	vld [tilespmem:s29+$0xFFFFFFC0]  }
0x83: {  	v14 =	vld [tilespmem:s29+$0xFFFFFFD0]  }
0x84: {  	v2 =	vld [tilespmem:s0+$0xFFFFFFA0]  }
0x85: {  	v3 =	vld [tilespmem:s0+$0xFFFFFFB0];
	v6 =	vshrl.u32 v0, $0x1;
	v10 =	vshrl.u32 v1, $0x1;
	v1 =	vand.u32 $0x1, v1  }
0x86: {  	v4 =	vld [tilespmem:s0+$0xFFFFFFC0];
	v15 =	vshrl.u32 v8, $0x1;
	v8 =	vand.u32 $0x1, v8;
	v55 =	vand.u32 $0x1, v9  }
0x87: {  	v5 =	vld [tilespmem:s29+$0x0];
	v0 =	vand.u32 $0x1, v0;
	v9 =	vshrl.u32 v9, $0x1;
	v11 =	vmul.u32 $0xAAAAAAAB, v11  }
0x88: {  	v7 =	vld [tilespmem:s0+$0xFFFFFFD0];
	v12 =	vmul.u32 $0xAAAAAAAB, v12;
	v13 =	vmul.u32 $0xAAAAAAAB, v13;
	v14 =	vmul.u32 $0xAAAAAAAB, v14  }
0x89: {  	v56 =	vld [tilespmem:s29+$0xFFFFFF90];
	vm5 =	veq.s32 v1, $0x0;
	v1 =	vshrl.u32 v2, $0x1;
	v2 =	vand.u32 $0x1, v2  }
0x8a: {  	v57 =	vld [tilespmem:s29+$0xFFFFFFF0];
	vm2 =	veq.s32 v8, $0x0;
	vm4 =	veq.s32 v55, $0x0;
	vm8 =	veq.s32 v0, $0x0  }
0x8b: {  	vm0 =	veq.s32 v2, $0x0;
	v2 =	vshrl.u32 v3, $0x1;
	v3 =	vand.u32 $0x1, v3;
	v6 =	vld.idx.msk [tilespmem:v6+s3+$0x0], $0xffff  }
0x8c: {  	vm3 =	veq.s32 v3, $0x0;
	v3 =	vshrl.u32 v4, $0x1;
	v4 =	vand.u32 $0x1, v4;
	v10 =	vld.idx.msk [tilespmem:v10+s3+$0x0], $0xffff  }
0x8d: {  	vm1 =	veq.s32 v4, $0x0;
	v4 =	vmul.u32 $0xAAAAAAAB, v5;
	v5 =	vshrl.u32 v7, $0x1;
	v9 =	vld.idx.msk [tilespmem:v9+s3+$0x0], $0xffff  }
0x8e: {  	v16 =	vld [tilespmem:s29+$0xFFFFFFE0];
	v8 =	vmul.u32 $0xAAAAAAAB, v56;
	vm9 =	vlt.u32 v11, $0x55555556;
	vm10 =	vlt.u32 v12, $0x55555556  }
0x8f: {  	v7 =	vand.u32 $0x1, v7;
	vm7 =	vlt.u32 v4, $0x55555556;
	v17 =	vld.idx.msk [tilespmem:v1+s3+$0x0], $0xffff;
	v1 =	vmul.u32 $0xAAAAAAAB, v57  }
0x90: {  	vm12 =	vlt.u32 v14, $0x55555556;
	vm11 =	vlt.u32 v8, $0x55555556;
	vm6 =	veq.s32 v7, $0x0;
	v2 =	vld.idx.msk [tilespmem:v2+s3+$0x0], $0xffff  }
0x91: {  	v3 =	vld.idx.msk [tilespmem:v3+s3+$0x0], $0xffff;
	vm15 =	vlt.u32 v1, $0x55555556;
	v0 =	vand.u32 $0xFFFF0000, v6;
	v6 =	vshll.u32 v6, $0x10  }
0x92: {  	v5 =	vld.idx.msk [tilespmem:v5+s3+$0x0], $0xffff;
	v58 =	vand.u32 $0xFFFF0000, v10;
	v10 =	vshll.u32 v10, $0x10;
	v62 =	vand.u32 $0xFFFF0000, v9  }
0x93: {  	v63 =	vshll.u32 v9, $0x10;
	v6 =	vsel vm8, v6, v0;
	vm8 =	vlt.u32 v13, $0x55555556  }
0x94: {  	v15 =	vld.idx.msk [tilespmem:v15+s3+$0x0], $0xffff;
	v0 =	vmul.u32 $0xAAAAAAAB, v16;
	v59 =	vand.u32 $0xFFFF0000, v17;
	v60 =	vshll.u32 v17, $0x10  }
0x95: {  	[tilespmem:v4+s20+$0x0] =	vst.idx.add.f32.msk vm7, v6;
	v4 =	vsel vm0, v60, v59;
	v61 =	vand.u32 $0xFFFF0000, v2;
	v2 =	vshll.u32 v2, $0x10  }
0x96: {  	v7 =	vsel vm5, v10, v58;
	vm13 =	vlt.u32 v0, $0x55555556;
	[tilespmem:v11+s20+$0x0] =	vst.idx.add.f32.msk vm9, v4;
	v2 =	vsel vm3, v2, v61  }
0x97: {  	v4 =	vand.u32 $0xFFFF0000, v3;
	[tilespmem:v12+s20+$0x0] =	vst.idx.add.f32.msk vm10, v2;
	v2 =	vand.u32 $0xFFFF0000, v5;
	v5 =	vshll.u32 v5, $0x10  }
0x98: {  	[tilespmem:v8+s20+$0x0] =	vst.idx.add.f32.msk vm11, v7;
	v3 =	vshll.u32 v3, $0x10;
	vm0 =	vmmov vm13;
	v2 =	vsel vm6, v5, v2  }
0x99: {  	v3 =	vsel vm1, v3, v4;
	v4 =	vand.u32 $0xFFFF0000, v15;
	v5 =	vshll.u32 v15, $0x10;
	[tilespmem:v14+s20+$0x0] =	vst.idx.add.f32.msk vm12, v2  }
0x9a: {  	s30 =	simm.s32 $0x0;
	s31 =	simm.s32 $0xF170;
	vm1 =	vmmov vm15;
	v2 =	vsel vm4, v63, v62;
	[tilespmem:v13+s20+$0x0] =	vst.idx.add.f32.msk vm8, v3;
	v3 =	vsel vm2, v5, v4  }
.LBB2_5:
0x9b: {  	v4 =	vld [tilespmem:s31+$0x0];
	s30 =	sadd.s32 $0x8, s30  }
0x9c: {  	v5 =	vld [tilespmem:s31+$0xFFFFFF90];
	p1 =	slt.u32 s30, $0x2B8  }
0x9d: {  	v6 =	vld [tilespmem:s31+$0xFFFFFFA0]  }
0x9e: {  	v7 =	vld [tilespmem:s31+$0xFFFFFFB0]  }
0x9f: {  	s29 =	sadd.s32 $0x80, s29;
	v8 =	vld [tilespmem:s31+$0xFFFFFFC0]  }
0xa0: {  	v9 =	vld [tilespmem:s29+$0x0];
	v10 =	vshrl.u32 v4, $0x1  }
0xa1: {  	v11 =	vshrl.u32 v5, $0x1;
	v5 =	vand.u32 $0x1, v5;
	v12 =	vld [tilespmem:s31+$0xFFFFFFD0]  }
0xa2: {  	vm5 =	veq.s32 v5, $0x0;
	v5 =	vshrl.u32 v6, $0x1;
	v6 =	vand.u32 $0x1, v6;
	v13 =	vld [tilespmem:s31+$0xFFFFFFE0]  }
0xa3: {  	vm4 =	veq.s32 v6, $0x0;
	v6 =	vshrl.u32 v7, $0x1;
	v7 =	vand.u32 $0x1, v7;
	v14 =	vld [tilespmem:s31+$0xFFFFFFF0]  }
0xa4: {  	v15 =	vld [tilespmem:s29+$0xFFFFFFA0];
	vm3 =	veq.s32 v7, $0x0;
	v7 =	vshrl.u32 v8, $0x1;
	v8 =	vand.u32 $0x1, v8  }
0xa5: {  	vm2 =	veq.s32 v8, $0x0;
	v8 =	vmul.u32 $0xAAAAAAAB, v9;
	v9 =	vld.idx.msk [tilespmem:v10+s3+$0x0], $0xffff  }
0xa6: {  	v10 =	vld [tilespmem:s29+$0xFFFFFFB0];
	v16 =	vshrl.u32 v12, $0x1;
	v12 =	vand.u32 $0x1, v12  }
0xa7: {  	v17 =	vld [tilespmem:s29+$0xFFFFFFC0];
	v18 =	vshrl.u32 v13, $0x1;
	v13 =	vand.u32 $0x1, v13;
	vm9 =	vlt.u32 v8, $0x55555556  }
0xa8: {  	vm7 =	veq.s32 v12, $0x0;
	v19 =	vld [tilespmem:s29+$0xFFFFFFD0];
	v12 =	vshrl.u32 v14, $0x1;
	v14 =	vand.u32 $0x1, v14  }
0xa9: {  	vm8 =	veq.s32 v13, $0x0;
	v15 =	vmul.u32 $0xAAAAAAAB, v15;
	v20 =	vld [tilespmem:s29+$0xFFFFFFE0];
	vm6 =	veq.s32 v14, $0x0  }
0xaa: {  	v4 =	vand.u32 $0x1, v4;
	v13 =	vld [tilespmem:s29+$0xFFFFFFF0]  }
0xab: {  	vm10 =	veq.s32 v4, $0x0;
	v4 =	vand.u32 $0xFFFF0000, v9;
	v9 =	vshll.u32 v9, $0x10;
	v14 =	vld [tilespmem:s29+$0xFFFFFF90]  }
0xac: {  	v10 =	vmul.u32 $0xAAAAAAAB, v10;
	v4 =	vsel vm10, v9, v4;
	v11 =	vld.idx.msk [tilespmem:v11+s3+$0x0], $0xffff;
	v17 =	vmul.u32 $0xAAAAAAAB, v17  }
0xad: {  	vm12 =	vlt.u32 v15, $0x55555556;
	v9 =	vmul.u32 $0xAAAAAAAB, v19;
	[tilespmem:v8+s20+$0x0] =	vst.idx.add.f32.msk vm9, v4  }
0xae: {  	vm13 =	vlt.u32 v10, $0x55555556;
	v4 =	vld.idx.msk [tilespmem:v5+s3+$0x0], $0xffff;
	vm10 =	vlt.u32 v17, $0x55555556;
	v5 =	vmul.u32 $0xAAAAAAAB, v20  }
0xaf: {  	v6 =	vld.idx.msk [tilespmem:v6+s3+$0x0], $0xffff;
	vm9 =	vlt.u32 v9, $0x55555556;
	v8 =	vmul.u32 $0xAAAAAAAB, v13  }
0xb0: {  	v13 =	vmul.u32 $0xAAAAAAAB, v14;
	v7 =	vld.idx.msk [tilespmem:v7+s3+$0x0], $0xffff;
	vm14 =	vlt.u32 v5, $0x55555556  }
0xb1: {  	v14 =	vld.idx.msk [tilespmem:v16+s3+$0x0], $0xffff;
	vm11 =	vlt.u32 v8, $0x55555556  }
0xb2: {  	v16 =	vand.u32 $0xFFFF0000, v11;
	v11 =	vshll.u32 v11, $0x10;
	vm15 =	vlt.u32 v13, $0x55555556;
	v18 =	vld.idx.msk [tilespmem:v18+s3+$0x0], $0xffff  }
0xb3: {  	v11 =	vsel vm5, v11, v16;
	v12 =	vld.idx.msk [tilespmem:v12+s3+$0x0], $0xffff  }
0xb4: {  	v16 =	vand.u32 $0xFFFF0000, v4;
	v4 =	vshll.u32 v4, $0x10;
	[tilespmem:v0+s20+$0x0] =	vst.idx.add.f32.msk vm0, v3;
	v0 =	vmovc v5;
	vm0 =	vmmov vm14  }
0xb5: {  	v3 =	vsel vm4, v4, v16;
	v4 =	vand.u32 $0xFFFF0000, v6;
	v5 =	vshll.u32 v6, $0x10;
	[tilespmem:v1+s20+$0x0] =	vst.idx.add.f32.msk vm1, v2;
	v1 =	vmovc v8  }
.Ltmp3:
0xb6: {  	v2 =	vsel vm3, v5, v4;
	v4 =	vshll.u32 v7, $0x10;
	[tilespmem:v15+s20+$0x0] =	vst.idx.add.f32.msk vm12, v3;
	v3 =	vand.u32 $0xFFFF0000, v7;
	(pc) =	sbr.rel @p1 .LBB2_5-.Ltmp3, $4  }
0xb7: {  	[tilespmem:v10+s20+$0x0] =	vst.idx.add.f32.msk vm13, v2;
	v2 =	vsel vm2, v4, v3;
	v3 =	vand.u32 $0xFFFF0000, v14;
	v4 =	vshll.u32 v14, $0x10  }
0xb8: {  	v5 =	vshll.u32 v18, $0x10;
	[tilespmem:v13+s20+$0x0] =	vst.idx.add.f32.msk vm15, v11;
	v4 =	vsel vm7, v4, v3;
	v3 =	vand.u32 $0xFFFF0000, v18  }
0xb9: {  	[tilespmem:v17+s20+$0x0] =	vst.idx.add.f32.msk vm10, v2;
	v3 =	vsel vm8, v5, v3;
	v2 =	vand.u32 $0xFFFF0000, v12;
	v5 =	vshll.u32 v12, $0x10  }
0xba: {  	s31 =	sadd.s32 $0x80, s31;
	vm1 =	vmmov vm11;
	[tilespmem:v9+s20+$0x0] =	vst.idx.add.f32.msk vm9, v4;
	v2 =	vsel vm6, v5, v2  }
0xbb: {  	_ =	sdelay $0x1  }
.Ltmp4:
0xbc: {  	_ = 	snop;
	(pc) =	sbr.rel @p0 .LBB2_8-.Ltmp4, $3  }
0xbd: {  	_ =	sdelay $0x1  }
0xbe: {  	[tilespmem:v0+s20+$0x0] =	vst.idx.add.f32.msk vm0, v3  }
0xbf: {  	[tilespmem:v1+s20+$0x0] =	vst.idx.add.f32.msk vm1, v2  }
0xc0: {  	s0 =	sadd.s32 s28, s12  }
0xc1: {  	s0 =	smul.u32 $0x580, s0  }
.Ltmp5:
0xc2: {  	_ = 	snop;
	(pc) =	sbr.rel .LBB2_2-.Ltmp5, $4  }
0xc3: {  	s31 =	sadd.s32 s5, s0  }
0xc4: {  	[tilespmem:s17], [sflag:$0x2] =	stream.linear.gather [hbm4b:s31+s3], $0x2C00, $0x38;
	[tilespmem:$0x1F700] =	vst v63  }
0xc5: {  	s26 =	sadd.s32 $0x1, s26;
	s0 =	sadd.s32 s6, s0  }
0xc6: {  	[tilespmem:s18], [sflag:$0x4] =	stream.linear.gather [hbm4b:s0+s3], $0x2C00, $0x38;
	[tilespmem:$0x1F700] =	vst v63  }
.LBB2_9:
0xc7: {  	_ =	sfence.sel $0x180000  }
0xc8: {  	[bflag:$0x0] =	sbarrier.arrive $0xFFFF  }
0xc9: {  	_ =	strace $0x90000047  }
0xca: {  	[bflag:$0x2] =	sbarrier.arrive $0xFFFF  }
0xcb: {  	p0 =	sne.s32 s1, $0x0;
	s0 =	rddreg [dreg:$0x2]  }
0xcc: {  	s0 =	sadd.s32 @!p0 $0x100000, s0  }
0xcd: {  	[sflag:s0] =	ssyncadd.tile.s32 @!p0 $0x1;
	_ =	shalt  }
.Lfunc_end2:
_tile_overlayer_lowered:
.L_overlay_start_2:
0xce: {  	(tag) =	ssettag $0x2  }
0xcf: {  	s0 =	rddreg [dreg:$0x0];
	s2 =	stileid.u32  }
0xd0: {  	s1 =	rddreg [dreg:$0x1];
	p0 =	sne.s32 s2, $0x0  }
0xd1: {  	s3 =	rddreg [dreg:$0x2];
	[bflag:$0x3] =	sbarrier.arrive $0xFFFF;
	s2 =	simm.s32 @!p0 $0x1C05  }
0xd2: {  	[timem:s3], [sflag:s2] =	dma.local @!p0 [hbm:s0], s1  }
0xd3: {  	s0 =	simm.s32 @!p0 $0x5  }
0xd4: {  	_ =	swait.ge @!p0 [sflag:s0], s1  }
0xd5: {  	s1 =	ssub.s32 @!p0 $0x0, s1;
	[sflag:s0] =	ssyncset.done @!p0 $0x0  }
0xd6: {  	[sflag:s0] =	ssyncadd.s32 @!p0 s1  }
0xd7: {  	[bflag:$0x3] =	sbarrier.arrive $0xFFFF  }
0xd8: {  	_ =	shalt  }

</sc_bundles>
